<compile_context>
chip_gen: v7x
topology: tpu7x:2x2x1
jax: 0.10.2.dev20260603
libtpu: 0.0.44.dev20260713+nightly
codegen_flags: <defaults>
</compile_context>

<pallas_src>
import functools

import jax
import jax.numpy as jnp
from jax import lax
from jax.experimental import pallas as pl
from jax.experimental.pallas import tpu as pltpu
from jax.experimental.pallas import tpu_sc as plsc

_INFO = plsc.get_sparse_core_info()
_NC = _INFO.num_cores
_NS = _INFO.num_subcores
_NW = _NC * _NS
_L = 128


def _gather_impl(t_steps, b, d, table, idx_tb):
    bw = b // _NW
    assert b % _NW == 0 and bw % _L == 0 and t_steps % 2 == 0
    nj = bw // _L

    mesh = plsc.VectorSubcoreMesh(core_axis_name="c", subcore_axis_name="s")

    @functools.partial(
        pl.kernel,
        mesh=mesh,
        compiler_params=pltpu.CompilerParams(use_tc_tiling_on_sc=False),
        out_type=jax.ShapeDtypeStruct((b, t_steps, d), jnp.float32),
        scratch_types=[
            pltpu.VMEM((t_steps, bw), jnp.int32),
            pltpu.VMEM((2, bw, d), jnp.float32),
            pltpu.SemaphoreType.DMA,
            pltpu.SemaphoreType.DMA,
        ],
    )
    def k(table_hbm, idx_hbm, out_hbm, idx_v, rows_v, sem0, sem1):
        sems = (sem0, sem1)
        wid = lax.axis_index("s") * _NC + lax.axis_index("c")
        b0 = wid * bw
        pltpu.sync_copy(idx_hbm.at[:, pl.ds(b0, bw)], idx_v)

        def start_chunk(t, s):
            for j in range(nj):
                pltpu.make_async_copy(
                    table_hbm.at[idx_v.at[t].at[pl.ds(j * _L, _L)]],
                    rows_v.at[s].at[pl.ds(j * _L, _L)],
                    sems[s],
                ).start()

        def finish_chunk(t, s):
            for j in range(nj):
                pltpu.make_async_copy(
                    table_hbm.at[idx_v.at[t].at[pl.ds(j * _L, _L)]],
                    rows_v.at[s].at[pl.ds(j * _L, _L)],
                    sems[s],
                ).wait()
            pltpu.sync_copy(rows_v.at[s], out_hbm.at[pl.ds(b0, bw), t])

        start_chunk(0, 0)

        def body(kk, carry):
            t = kk * 2
            for x in range(2):
                start_chunk(t + x + 1, 1 - x)
                finish_chunk(t + x, x)
            return carry

        lax.fori_loop(0, (t_steps - 2) // 2, body, 0)

        start_chunk(t_steps - 1, 1)
        finish_chunk(t_steps - 2, 0)
        finish_chunk(t_steps - 1, 1)

    return k(table, idx_tb)


def kernel(token_ids, embeddings):
    b, t = token_ids.shape
    v, d = embeddings.shape
    idx_tb = token_ids.T.astype(jnp.int32)
    return _gather_impl(t, b, d, embeddings, idx_tb)

# --- scband reference (transcript-rebuilt; emitter-appended) ---
"""Pipeline reference for scband-embedding-59115929862306 (READ-ONLY COPY).

The authoritative reference and input builder live on the scoring server;
editing this copy changes nothing except your own understanding.
"""

import jax, jax.numpy as jnp
import numpy as np

NUM_EMBEDDINGS = 1000000
EMBEDDING_DIM = 64

def setup_inputs(seed: int = 0) -> dict:
    key = jax.random.key(seed)
    k_idx, k_tab = jax.random.split(key)
    token_ids = jax.random.randint(k_idx, (16384, 50), 0, NUM_EMBEDDINGS, dtype=jnp.int64 if jax.config.jax_enable_x64 else jnp.int32)
    # trunc_normal_(std=1) approximation: normal clipped to [-2, 2]
    embeddings = jnp.clip(jax.random.normal(k_tab, (NUM_EMBEDDINGS, EMBEDDING_DIM), dtype=jnp.float32), -2.0, 2.0)
    return {"token_ids": token_ids, "embeddings": embeddings}

def reference(token_ids, embeddings):
    # Faithful translation of: return self.embeddings[token_ids]
    return jnp.take(embeddings, token_ids, axis=0)

if __name__ == "__main__":
    import jax
    _d = setup_inputs()
    print(jax.jit(kernel)(*tuple(_d.values())))

</pallas_src>

<mosaic_0001>
#map = affine_map<(d0, d1) -> (0, 0)>
#map1 = affine_map<(d0, d1) -> (0, 0, 0)>
module attributes {stable_mosaic.version = 14 : i64} {
  func.func @k(%arg0: i32, %arg1: i32, %arg2: memref<1000000x64xf32, #tpu.memory_space<hbm>>, %arg3: memref<50x16384xi32, #tpu.memory_space<hbm>>, %arg4: memref<16384x50x64xf32, #tpu.memory_space<hbm>>, %arg5: memref<50x512xi32, #tpu.memory_space<vmem>>, %arg6: memref<2x512x64xf32, #tpu.memory_space<vmem>>, %arg7: memref<!tpu.dma_semaphore, #tpu.memory_space<semaphore_mem>>, %arg8: memref<!tpu.dma_semaphore, #tpu.memory_space<semaphore_mem>>) attributes {dimension_semantics = [#tpu.dimension_semantics<core_parallel>, #tpu.dimension_semantics<subcore_parallel>], iteration_bounds = array<i64: 2, 16>, scalar_prefetch = 0 : i64, scratch_operands = 4 : i64, tpu.core_type = #tpu.core_type<sc_vector_subcore>, window_params = [{transform_indices = #map}, {transform_indices = #map}, {transform_indices = #map1}]} {
    %mul3A = arith.constant 2 : i32
    %mul3A_0 = arith.muli %arg1, %mul3A : i32
    %add3A = arith.addi %mul3A_0, %arg0 : i32
    %mul3A_1 = arith.constant 512 : i32
    %mul3A_2 = arith.muli %add3A, %mul3A_1 : i32
    "tpu.region"() ({
      %run_scoped3A_281 = tpu.sem_alloc : memref<!tpu.dma_semaphore, #tpu.memory_space<semaphore_mem>>
      %dma_start3A_282 = arith.constant 0 : i32
      %dma_start3A_283 = tpu.memref_slice %arg3[%dma_start3A_282, %mul3A_2] : memref<50x16384xi32, #tpu.memory_space<hbm>> -> memref<50x512xi32, #tpu.memory_space<hbm>>
      %dma_start3A_284 = arith.constant 0 : i32
      %dma_start3A_285 = tpu.memref_slice %arg3[%dma_start3A_284, %mul3A_2] : memref<50x16384xi32, #tpu.memory_space<hbm>> -> memref<50x512xi32, #tpu.memory_space<hbm>>
      tpu.enqueue_dma source(%dma_start3A_285 : memref<50x512xi32, #tpu.memory_space<hbm>>) target(%arg5 : memref<50x512xi32, #tpu.memory_space<vmem>>) target_semaphore(%run_scoped3A_281 : memref<!tpu.dma_semaphore, #tpu.memory_space<semaphore_mem>>)
      %dma_wait3A_286 = arith.constant 0 : i32
      %dma_wait3A_287 = tpu.memref_slice %arg3[%dma_wait3A_286, %mul3A_2] : memref<50x16384xi32, #tpu.memory_space<hbm>> -> memref<50x512xi32, #tpu.memory_space<hbm>>
      %dma_wait3A_288 = arith.constant 0 : i32
      %dma_wait3A_289 = tpu.memref_slice %arg3[%dma_wait3A_288, %mul3A_2] : memref<50x16384xi32, #tpu.memory_space<hbm>> -> memref<50x512xi32, #tpu.memory_space<hbm>>
      tpu.wait_dma2 semaphore(%run_scoped3A_281 : memref<!tpu.dma_semaphore, #tpu.memory_space<semaphore_mem>>) src(%dma_wait3A_289 : memref<50x512xi32, #tpu.memory_space<hbm>>) dst(%arg5 : memref<50x512xi32, #tpu.memory_space<vmem>>)
      tpu.yield
    }) : () -> ()
    %dma_start3A = arith.constant 0 : i32
    %dma_start3A_3 = arith.constant 0 : i32
    %dma_start3A_4 = arith.constant 0 : i32
    %dma_start3A_5 = arith.constant 0 : i32
    %dma_start3A_6 = tpu.memref_slice %arg6[%dma_start3A_3, %dma_start3A_4, %dma_start3A_5] : memref<2x512x64xf32, #tpu.memory_space<vmem>> -> memref<1x512x64xf32, #tpu.memory_space<vmem>>
    %dma_start3A_7 = tpu.memref_squeeze %dma_start3A_6 : memref<1x512x64xf32, #tpu.memory_space<vmem>> -> memref<512x64xf32, #tpu.memory_space<vmem>>
    %dma_start3A_8 = arith.constant 0 : i32
    %dma_start3A_9 = arith.constant 0 : i32
    %dma_start3A_10 = tpu.memref_slice %dma_start3A_7[%dma_start3A_8, %dma_start3A_9] : memref<512x64xf32, #tpu.memory_space<vmem>> -> memref<128x64xf32, #tpu.memory_space<vmem>>
    %dma_start3A_11 = arith.constant 0 : i32
    %dma_start3A_12 = tpu.memref_slice %arg5[%dma_start3A, %dma_start3A_11] : memref<50x512xi32, #tpu.memory_space<vmem>> -> memref<1x512xi32, #tpu.memory_space<vmem>>
    %dma_start3A_13 = tpu.memref_squeeze %dma_start3A_12 : memref<1x512xi32, #tpu.memory_space<vmem>> -> memref<512xi32, #tpu.memory_space<vmem>>
    %dma_start3A_14 = arith.constant 0 : i32
    %dma_start3A_15 = tpu.memref_slice %dma_start3A_13[%dma_start3A_14] : memref<512xi32, #tpu.memory_space<vmem>> -> memref<128xi32, #tpu.memory_space<vmem>>
    %dma_start3A_16 = arith.constant 0 : i32
    %dma_start3A_17 = arith.constant 0 : i32
    %dma_start3A_18 = tpu.memref_slice %arg2[%dma_start3A_16, %dma_start3A_17] : memref<1000000x64xf32, #tpu.memory_space<hbm>> -> memref<1000000x64xf32, #tpu.memory_space<hbm>>
    tpu.enqueue_indirect_dma source(%dma_start3A_18 : memref<1000000x64xf32, #tpu.memory_space<hbm>>) target(%dma_start3A_10 : memref<128x64xf32, #tpu.memory_space<vmem>>) offsets(%dma_start3A_15 : memref<128xi32, #tpu.memory_space<vmem>>) semaphore(%arg7 : memref<!tpu.dma_semaphore, #tpu.memory_space<semaphore_mem>>)
    %dma_start3A_19 = arith.constant 0 : i32
    %dma_start3A_20 = arith.constant 0 : i32
    %dma_start3A_21 = arith.constant 0 : i32
    %dma_start3A_22 = arith.constant 0 : i32
    %dma_start3A_23 = tpu.memref_slice %arg6[%dma_start3A_20, %dma_start3A_21, %dma_start3A_22] : memref<2x512x64xf32, #tpu.memory_space<vmem>> -> memref<1x512x64xf32, #tpu.memory_space<vmem>>
    %dma_start3A_24 = tpu.memref_squeeze %dma_start3A_23 : memref<1x512x64xf32, #tpu.memory_space<vmem>> -> memref<512x64xf32, #tpu.memory_space<vmem>>
    %dma_start3A_25 = arith.constant 128 : i32
    %dma_start3A_26 = arith.constant 0 : i32
    %dma_start3A_27 = tpu.memref_slice %dma_start3A_24[%dma_start3A_25, %dma_start3A_26] : memref<512x64xf32, #tpu.memory_space<vmem>> -> memref<128x64xf32, #tpu.memory_space<vmem>>
    %dma_start3A_28 = arith.constant 0 : i32
    %dma_start3A_29 = tpu.memref_slice %arg5[%dma_start3A_19, %dma_start3A_28] : memref<50x512xi32, #tpu.memory_space<vmem>> -> memref<1x512xi32, #tpu.memory_space<vmem>>
    %dma_start3A_30 = tpu.memref_squeeze %dma_start3A_29 : memref<1x512xi32, #tpu.memory_space<vmem>> -> memref<512xi32, #tpu.memory_space<vmem>>
    %dma_start3A_31 = arith.constant 128 : i32
    %dma_start3A_32 = tpu.memref_slice %dma_start3A_30[%dma_start3A_31] : memref<512xi32, #tpu.memory_space<vmem>> -> memref<128xi32, #tpu.memory_space<vmem>>
    %dma_start3A_33 = arith.constant 0 : i32
    %dma_start3A_34 = arith.constant 0 : i32
    %dma_start3A_35 = tpu.memref_slice %arg2[%dma_start3A_33, %dma_start3A_34] : memref<1000000x64xf32, #tpu.memory_space<hbm>> -> memref<1000000x64xf32, #tpu.memory_space<hbm>>
    tpu.enqueue_indirect_dma source(%dma_start3A_35 : memref<1000000x64xf32, #tpu.memory_space<hbm>>) target(%dma_start3A_27 : memref<128x64xf32, #tpu.memory_space<vmem>>) offsets(%dma_start3A_32 : memref<128xi32, #tpu.memory_space<vmem>>) semaphore(%arg7 : memref<!tpu.dma_semaphore, #tpu.memory_space<semaphore_mem>>)
    %dma_start3A_36 = arith.constant 0 : i32
    %dma_start3A_37 = arith.constant 0 : i32
    %dma_start3A_38 = arith.constant 0 : i32
    %dma_start3A_39 = arith.constant 0 : i32
    %dma_start3A_40 = tpu.memref_slice %arg6[%dma_start3A_37, %dma_start3A_38, %dma_start3A_39] : memref<2x512x64xf32, #tpu.memory_space<vmem>> -> memref<1x512x64xf32, #tpu.memory_space<vmem>>
    %dma_start3A_41 = tpu.memref_squeeze %dma_start3A_40 : memref<1x512x64xf32, #tpu.memory_space<vmem>> -> memref<512x64xf32, #tpu.memory_space<vmem>>
    %dma_start3A_42 = arith.constant 256 : i32
    %dma_start3A_43 = arith.constant 0 : i32
    %dma_start3A_44 = tpu.memref_slice %dma_start3A_41[%dma_start3A_42, %dma_start3A_43] : memref<512x64xf32, #tpu.memory_space<vmem>> -> memref<128x64xf32, #tpu.memory_space<vmem>>
    %dma_start3A_45 = arith.constant 0 : i32
    %dma_start3A_46 = tpu.memref_slice %arg5[%dma_start3A_36, %dma_start3A_45] : memref<50x512xi32, #tpu.memory_space<vmem>> -> memref<1x512xi32, #tpu.memory_space<vmem>>
    %dma_start3A_47 = tpu.memref_squeeze %dma_start3A_46 : memref<1x512xi32, #tpu.memory_space<vmem>> -> memref<512xi32, #tpu.memory_space<vmem>>
    %dma_start3A_48 = arith.constant 256 : i32
    %dma_start3A_49 = tpu.memref_slice %dma_start3A_47[%dma_start3A_48] : memref<512xi32, #tpu.memory_space<vmem>> -> memref<128xi32, #tpu.memory_space<vmem>>
    %dma_start3A_50 = arith.constant 0 : i32
    %dma_start3A_51 = arith.constant 0 : i32
    %dma_start3A_52 = tpu.memref_slice %arg2[%dma_start3A_50, %dma_start3A_51] : memref<1000000x64xf32, #tpu.memory_space<hbm>> -> memref<1000000x64xf32, #tpu.memory_space<hbm>>
    tpu.enqueue_indirect_dma source(%dma_start3A_52 : memref<1000000x64xf32, #tpu.memory_space<hbm>>) target(%dma_start3A_44 : memref<128x64xf32, #tpu.memory_space<vmem>>) offsets(%dma_start3A_49 : memref<128xi32, #tpu.memory_space<vmem>>) semaphore(%arg7 : memref<!tpu.dma_semaphore, #tpu.memory_space<semaphore_mem>>)
    %dma_start3A_53 = arith.constant 0 : i32
    %dma_start3A_54 = arith.constant 0 : i32
    %dma_start3A_55 = arith.constant 0 : i32
    %dma_start3A_56 = arith.constant 0 : i32
    %dma_start3A_57 = tpu.memref_slice %arg6[%dma_start3A_54, %dma_start3A_55, %dma_start3A_56] : memref<2x512x64xf32, #tpu.memory_space<vmem>> -> memref<1x512x64xf32, #tpu.memory_space<vmem>>
    %dma_start3A_58 = tpu.memref_squeeze %dma_start3A_57 : memref<1x512x64xf32, #tpu.memory_space<vmem>> -> memref<512x64xf32, #tpu.memory_space<vmem>>
    %dma_start3A_59 = arith.constant 384 : i32
    %dma_start3A_60 = arith.constant 0 : i32
    %dma_start3A_61 = tpu.memref_slice %dma_start3A_58[%dma_start3A_59, %dma_start3A_60] : memref<512x64xf32, #tpu.memory_space<vmem>> -> memref<128x64xf32, #tpu.memory_space<vmem>>
    %dma_start3A_62 = arith.constant 0 : i32
    %dma_start3A_63 = tpu.memref_slice %arg5[%dma_start3A_53, %dma_start3A_62] : memref<50x512xi32, #tpu.memory_space<vmem>> -> memref<1x512xi32, #tpu.memory_space<vmem>>
    %dma_start3A_64 = tpu.memref_squeeze %dma_start3A_63 : memref<1x512xi32, #tpu.memory_space<vmem>> -> memref<512xi32, #tpu.memory_space<vmem>>
    %dma_start3A_65 = arith.constant 384 : i32
    %dma_start3A_66 = tpu.memref_slice %dma_start3A_64[%dma_start3A_65] : memref<512xi32, #tpu.memory_space<vmem>> -> memref<128xi32, #tpu.memory_space<vmem>>
    %dma_start3A_67 = arith.constant 0 : i32
    %dma_start3A_68 = arith.constant 0 : i32
    %dma_start3A_69 = tpu.memref_slice %arg2[%dma_start3A_67, %dma_start3A_68] : memref<1000000x64xf32, #tpu.memory_space<hbm>> -> memref<1000000x64xf32, #tpu.memory_space<hbm>>
    tpu.enqueue_indirect_dma source(%dma_start3A_69 : memref<1000000x64xf32, #tpu.memory_space<hbm>>) target(%dma_start3A_61 : memref<128x64xf32, #tpu.memory_space<vmem>>) offsets(%dma_start3A_66 : memref<128xi32, #tpu.memory_space<vmem>>) semaphore(%arg7 : memref<!tpu.dma_semaphore, #tpu.memory_space<semaphore_mem>>)
    %scan3A = arith.constant 0 : i32
    %scan3A_70 = arith.constant 0 : i32
    %scan3A_71 = arith.constant 24 : i32
    %scan3A_72 = arith.addi %scan3A_70, %scan3A_71 : i32
    %scan3A_73 = arith.constant 1 : i32
    scf.for %scan3A_281 = %scan3A_70 to %scan3A_72 step %scan3A_73  : i32 {
      %mul3A_282 = arith.constant 2 : i32
      %mul3A_283 = arith.muli %scan3A_281, %mul3A_282 : i32
      %add3A_284 = arith.constant 0 : i32
      %add3A_285 = arith.addi %mul3A_283, %add3A_284 : i32
      %add3A_286 = arith.constant 1 : i32
      %add3A_287 = arith.addi %add3A_285, %add3A_286 : i32
      %dma_start3A_288 = arith.constant 1 : i32
      %dma_start3A_289 = arith.constant 0 : i32
      %dma_start3A_290 = arith.constant 0 : i32
      %dma_start3A_291 = tpu.memref_slice %arg6[%dma_start3A_288, %dma_start3A_289, %dma_start3A_290] : memref<2x512x64xf32, #tpu.memory_space<vmem>> -> memref<1x512x64xf32, #tpu.memory_space<vmem>>
      %dma_start3A_292 = tpu.memref_squeeze %dma_start3A_291 : memref<1x512x64xf32, #tpu.memory_space<vmem>> -> memref<512x64xf32, #tpu.memory_space<vmem>>
      %dma_start3A_293 = arith.constant 0 : i32
      %dma_start3A_294 = arith.constant 0 : i32
      %dma_start3A_295 = tpu.memref_slice %dma_start3A_292[%dma_start3A_293, %dma_start3A_294] : memref<512x64xf32, #tpu.memory_space<vmem>> -> memref<128x64xf32, #tpu.memory_space<vmem>>
      %dma_start3A_296 = arith.constant 0 : i32
      %dma_start3A_297 = tpu.memref_slice %arg5[%add3A_287, %dma_start3A_296] : memref<50x512xi32, #tpu.memory_space<vmem>> -> memref<1x512xi32, #tpu.memory_space<vmem>>
      %dma_start3A_298 = tpu.memref_squeeze %dma_start3A_297 : memref<1x512xi32, #tpu.memory_space<vmem>> -> memref<512xi32, #tpu.memory_space<vmem>>
      %dma_start3A_299 = arith.constant 0 : i32
      %dma_start3A_300 = tpu.memref_slice %dma_start3A_298[%dma_start3A_299] : memref<512xi32, #tpu.memory_space<vmem>> -> memref<128xi32, #tpu.memory_space<vmem>>
      %dma_start3A_301 = arith.constant 0 : i32
      %dma_start3A_302 = arith.constant 0 : i32
      %dma_start3A_303 = tpu.memref_slice %arg2[%dma_start3A_301, %dma_start3A_302] : memref<1000000x64xf32, #tpu.memory_space<hbm>> -> memref<1000000x64xf32, #tpu.memory_space<hbm>>
      tpu.enqueue_indirect_dma source(%dma_start3A_303 : memref<1000000x64xf32, #tpu.memory_space<hbm>>) target(%dma_start3A_295 : memref<128x64xf32, #tpu.memory_space<vmem>>) offsets(%dma_start3A_300 : memref<128xi32, #tpu.memory_space<vmem>>) semaphore(%arg8 : memref<!tpu.dma_semaphore, #tpu.memory_space<semaphore_mem>>)
      %dma_start3A_304 = arith.constant 1 : i32
      %dma_start3A_305 = arith.constant 0 : i32
      %dma_start3A_306 = arith.constant 0 : i32
      %dma_start3A_307 = tpu.memref_slice %arg6[%dma_start3A_304, %dma_start3A_305, %dma_start3A_306] : memref<2x512x64xf32, #tpu.memory_space<vmem>> -> memref<1x512x64xf32, #tpu.memory_space<vmem>>
      %dma_start3A_308 = tpu.memref_squeeze %dma_start3A_307 : memref<1x512x64xf32, #tpu.memory_space<vmem>> -> memref<512x64xf32, #tpu.memory_space<vmem>>
      %dma_start3A_309 = arith.constant 128 : i32
      %dma_start3A_310 = arith.constant 0 : i32
      %dma_start3A_311 = tpu.memref_slice %dma_start3A_308[%dma_start3A_309, %dma_start3A_310] : memref<512x64xf32, #tpu.memory_space<vmem>> -> memref<128x64xf32, #tpu.memory_space<vmem>>
      %dma_start3A_312 = arith.constant 0 : i32
      %dma_start3A_313 = tpu.memref_slice %arg5[%add3A_287, %dma_start3A_312] : memref<50x512xi32, #tpu.memory_space<vmem>> -> memref<1x512xi32, #tpu.memory_space<vmem>>
      %dma_start3A_314 = tpu.memref_squeeze %dma_start3A_313 : memref<1x512xi32, #tpu.memory_space<vmem>> -> memref<512xi32, #tpu.memory_space<vmem>>
      %dma_start3A_315 = arith.constant 128 : i32
      %dma_start3A_316 = tpu.memref_slice %dma_start3A_314[%dma_start3A_315] : memref<512xi32, #tpu.memory_space<vmem>> -> memref<128xi32, #tpu.memory_space<vmem>>
      %dma_start3A_317 = arith.constant 0 : i32
      %dma_start3A_318 = arith.constant 0 : i32
      %dma_start3A_319 = tpu.memref_slice %arg2[%dma_start3A_317, %dma_start3A_318] : memref<1000000x64xf32, #tpu.memory_space<hbm>> -> memref<1000000x64xf32, #tpu.memory_space<hbm>>
      tpu.enqueue_indirect_dma source(%dma_start3A_319 : memref<1000000x64xf32, #tpu.memory_space<hbm>>) target(%dma_start3A_311 : memref<128x64xf32, #tpu.memory_space<vmem>>) offsets(%dma_start3A_316 : memref<128xi32, #tpu.memory_space<vmem>>) semaphore(%arg8 : memref<!tpu.dma_semaphore, #tpu.memory_space<semaphore_mem>>)
      %dma_start3A_320 = arith.constant 1 : i32
      %dma_start3A_321 = arith.constant 0 : i32
      %dma_start3A_322 = arith.constant 0 : i32
      %dma_start3A_323 = tpu.memref_slice %arg6[%dma_start3A_320, %dma_start3A_321, %dma_start3A_322] : memref<2x512x64xf32, #tpu.memory_space<vmem>> -> memref<1x512x64xf32, #tpu.memory_space<vmem>>
      %dma_start3A_324 = tpu.memref_squeeze %dma_start3A_323 : memref<1x512x64xf32, #tpu.memory_space<vmem>> -> memref<512x64xf32, #tpu.memory_space<vmem>>
      %dma_start3A_325 = arith.constant 256 : i32
      %dma_start3A_326 = arith.constant 0 : i32
      %dma_start3A_327 = tpu.memref_slice %dma_start3A_324[%dma_start3A_325, %dma_start3A_326] : memref<512x64xf32, #tpu.memory_space<vmem>> -> memref<128x64xf32, #tpu.memory_space<vmem>>
      %dma_start3A_328 = arith.constant 0 : i32
      %dma_start3A_329 = tpu.memref_slice %arg5[%add3A_287, %dma_start3A_328] : memref<50x512xi32, #tpu.memory_space<vmem>> -> memref<1x512xi32, #tpu.memory_space<vmem>>
      %dma_start3A_330 = tpu.memref_squeeze %dma_start3A_329 : memref<1x512xi32, #tpu.memory_space<vmem>> -> memref<512xi32, #tpu.memory_space<vmem>>
      %dma_start3A_331 = arith.constant 256 : i32
      %dma_start3A_332 = tpu.memref_slice %dma_start3A_330[%dma_start3A_331] : memref<512xi32, #tpu.memory_space<vmem>> -> memref<128xi32, #tpu.memory_space<vmem>>
      %dma_start3A_333 = arith.constant 0 : i32
      %dma_start3A_334 = arith.constant 0 : i32
      %dma_start3A_335 = tpu.memref_slice %arg2[%dma_start3A_333, %dma_start3A_334] : memref<1000000x64xf32, #tpu.memory_space<hbm>> -> memref<1000000x64xf32, #tpu.memory_space<hbm>>
      tpu.enqueue_indirect_dma source(%dma_start3A_335 : memref<1000000x64xf32, #tpu.memory_space<hbm>>) target(%dma_start3A_327 : memref<128x64xf32, #tpu.memory_space<vmem>>) offsets(%dma_start3A_332 : memref<128xi32, #tpu.memory_space<vmem>>) semaphore(%arg8 : memref<!tpu.dma_semaphore, #tpu.memory_space<semaphore_mem>>)
      %dma_start3A_336 = arith.constant 1 : i32
      %dma_start3A_337 = arith.constant 0 : i32
      %dma_start3A_338 = arith.constant 0 : i32
      %dma_start3A_339 = tpu.memref_slice %arg6[%dma_start3A_336, %dma_start3A_337, %dma_start3A_338] : memref<2x512x64xf32, #tpu.memory_space<vmem>> -> memref<1x512x64xf32, #tpu.memory_space<vmem>>
      %dma_start3A_340 = tpu.memref_squeeze %dma_start3A_339 : memref<1x512x64xf32, #tpu.memory_space<vmem>> -> memref<512x64xf32, #tpu.memory_space<vmem>>
      %dma_start3A_341 = arith.constant 384 : i32
      %dma_start3A_342 = arith.constant 0 : i32
      %dma_start3A_343 = tpu.memref_slice %dma_start3A_340[%dma_start3A_341, %dma_start3A_342] : memref<512x64xf32, #tpu.memory_space<vmem>> -> memref<128x64xf32, #tpu.memory_space<vmem>>
      %dma_start3A_344 = arith.constant 0 : i32
      %dma_start3A_345 = tpu.memref_slice %arg5[%add3A_287, %dma_start3A_344] : memref<50x512xi32, #tpu.memory_space<vmem>> -> memref<1x512xi32, #tpu.memory_space<vmem>>
      %dma_start3A_346 = tpu.memref_squeeze %dma_start3A_345 : memref<1x512xi32, #tpu.memory_space<vmem>> -> memref<512xi32, #tpu.memory_space<vmem>>
      %dma_start3A_347 = arith.constant 384 : i32
      %dma_start3A_348 = tpu.memref_slice %dma_start3A_346[%dma_start3A_347] : memref<512xi32, #tpu.memory_space<vmem>> -> memref<128xi32, #tpu.memory_space<vmem>>
      %dma_start3A_349 = arith.constant 0 : i32
      %dma_start3A_350 = arith.constant 0 : i32
      %dma_start3A_351 = tpu.memref_slice %arg2[%dma_start3A_349, %dma_start3A_350] : memref<1000000x64xf32, #tpu.memory_space<hbm>> -> memref<1000000x64xf32, #tpu.memory_space<hbm>>
      tpu.enqueue_indirect_dma source(%dma_start3A_351 : memref<1000000x64xf32, #tpu.memory_space<hbm>>) target(%dma_start3A_343 : memref<128x64xf32, #tpu.memory_space<vmem>>) offsets(%dma_start3A_348 : memref<128xi32, #tpu.memory_space<vmem>>) semaphore(%arg8 : memref<!tpu.dma_semaphore, #tpu.memory_space<semaphore_mem>>)
      %add3A_352 = arith.constant 0 : i32
      %add3A_353 = arith.addi %mul3A_283, %add3A_352 : i32
      %dma_wait3A_354 = arith.constant 0 : i32
      %dma_wait3A_355 = arith.constant 0 : i32
      %dma_wait3A_356 = arith.constant 0 : i32
      %dma_wait3A_357 = tpu.memref_slice %arg6[%dma_wait3A_354, %dma_wait3A_355, %dma_wait3A_356] : memref<2x512x64xf32, #tpu.memory_space<vmem>> -> memref<1x512x64xf32, #tpu.memory_space<vmem>>
      %dma_wait3A_358 = tpu.memref_squeeze %dma_wait3A_357 : memref<1x512x64xf32, #tpu.memory_space<vmem>> -> memref<512x64xf32, #tpu.memory_space<vmem>>
      %dma_wait3A_359 = arith.constant 0 : i32
      %dma_wait3A_360 = arith.constant 0 : i32
      %dma_wait3A_361 = tpu.memref_slice %dma_wait3A_358[%dma_wait3A_359, %dma_wait3A_360] : memref<512x64xf32, #tpu.memory_space<vmem>> -> memref<128x64xf32, #tpu.memory_space<vmem>>
      %dma_wait3A_362 = arith.constant 0 : i32
      %dma_wait3A_363 = tpu.memref_slice %arg5[%add3A_353, %dma_wait3A_362] : memref<50x512xi32, #tpu.memory_space<vmem>> -> memref<1x512xi32, #tpu.memory_space<vmem>>
      %dma_wait3A_364 = tpu.memref_squeeze %dma_wait3A_363 : memref<1x512xi32, #tpu.memory_space<vmem>> -> memref<512xi32, #tpu.memory_space<vmem>>
      %dma_wait3A_365 = arith.constant 0 : i32
      %dma_wait3A_366 = tpu.memref_slice %dma_wait3A_364[%dma_wait3A_365] : memref<512xi32, #tpu.memory_space<vmem>> -> memref<128xi32, #tpu.memory_space<vmem>>
      %dma_wait3A_367 = arith.constant 0 : i32
      %dma_wait3A_368 = arith.constant 0 : i32
      %dma_wait3A_369 = tpu.memref_slice %arg2[%dma_wait3A_367, %dma_wait3A_368] : memref<1000000x64xf32, #tpu.memory_space<hbm>> -> memref<1000000x64xf32, #tpu.memory_space<hbm>>
      tpu.wait_indirect_dma semaphore(%arg7 : memref<!tpu.dma_semaphore, #tpu.memory_space<semaphore_mem>>) src(%dma_wait3A_369 : memref<1000000x64xf32, #tpu.memory_space<hbm>>) dst(%dma_wait3A_361 : memref<128x64xf32, #tpu.memory_space<vmem>>)
      %dma_wait3A_370 = arith.constant 0 : i32
      %dma_wait3A_371 = arith.constant 0 : i32
      %dma_wait3A_372 = arith.constant 0 : i32
      %dma_wait3A_373 = tpu.memref_slice %arg6[%dma_wait3A_370, %dma_wait3A_371, %dma_wait3A_372] : memref<2x512x64xf32, #tpu.memory_space<vmem>> -> memref<1x512x64xf32, #tpu.memory_space<vmem>>
      %dma_wait3A_374 = tpu.memref_squeeze %dma_wait3A_373 : memref<1x512x64xf32, #tpu.memory_space<vmem>> -> memref<512x64xf32, #tpu.memory_space<vmem>>
      %dma_wait3A_375 = arith.constant 128 : i32
      %dma_wait3A_376 = arith.constant 0 : i32
      %dma_wait3A_377 = tpu.memref_slice %dma_wait3A_374[%dma_wait3A_375, %dma_wait3A_376] : memref<512x64xf32, #tpu.memory_space<vmem>> -> memref<128x64xf32, #tpu.memory_space<vmem>>
      %dma_wait3A_378 = arith.constant 0 : i32
      %dma_wait3A_379 = tpu.memref_slice %arg5[%add3A_353, %dma_wait3A_378] : memref<50x512xi32, #tpu.memory_space<vmem>> -> memref<1x512xi32, #tpu.memory_space<vmem>>
      %dma_wait3A_380 = tpu.memref_squeeze %dma_wait3A_379 : memref<1x512xi32, #tpu.memory_space<vmem>> -> memref<512xi32, #tpu.memory_space<vmem>>
      %dma_wait3A_381 = arith.constant 128 : i32
      %dma_wait3A_382 = tpu.memref_slice %dma_wait3A_380[%dma_wait3A_381] : memref<512xi32, #tpu.memory_space<vmem>> -> memref<128xi32, #tpu.memory_space<vmem>>
      %dma_wait3A_383 = arith.constant 0 : i32
      %dma_wait3A_384 = arith.constant 0 : i32
      %dma_wait3A_385 = tpu.memref_slice %arg2[%dma_wait3A_383, %dma_wait3A_384] : memref<1000000x64xf32, #tpu.memory_space<hbm>> -> memref<1000000x64xf32, #tpu.memory_space<hbm>>
      tpu.wait_indirect_dma semaphore(%arg7 : memref<!tpu.dma_semaphore, #tpu.memory_space<semaphore_mem>>) src(%dma_wait3A_385 : memref<1000000x64xf32, #tpu.memory_space<hbm>>) dst(%dma_wait3A_377 : memref<128x64xf32, #tpu.memory_space<vmem>>)
      %dma_wait3A_386 = arith.constant 0 : i32
      %dma_wait3A_387 = arith.constant 0 : i32
      %dma_wait3A_388 = arith.constant 0 : i32
      %dma_wait3A_389 = tpu.memref_slice %arg6[%dma_wait3A_386, %dma_wait3A_387, %dma_wait3A_388] : memref<2x512x64xf32, #tpu.memory_space<vmem>> -> memref<1x512x64xf32, #tpu.memory_space<vmem>>
      %dma_wait3A_390 = tpu.memref_squeeze %dma_wait3A_389 : memref<1x512x64xf32, #tpu.memory_space<vmem>> -> memref<512x64xf32, #tpu.memory_space<vmem>>
      %dma_wait3A_391 = arith.constant 256 : i32
      %dma_wait3A_392 = arith.constant 0 : i32
      %dma_wait3A_393 = tpu.memref_slice %dma_wait3A_390[%dma_wait3A_391, %dma_wait3A_392] : memref<512x64xf32, #tpu.memory_space<vmem>> -> memref<128x64xf32, #tpu.memory_space<vmem>>
      %dma_wait3A_394 = arith.constant 0 : i32
      %dma_wait3A_395 = tpu.memref_slice %arg5[%add3A_353, %dma_wait3A_394] : memref<50x512xi32, #tpu.memory_space<vmem>> -> memref<1x512xi32, #tpu.memory_space<vmem>>
      %dma_wait3A_396 = tpu.memref_squeeze %dma_wait3A_395 : memref<1x512xi32, #tpu.memory_space<vmem>> -> memref<512xi32, #tpu.memory_space<vmem>>
      %dma_wait3A_397 = arith.constant 256 : i32
      %dma_wait3A_398 = tpu.memref_slice %dma_wait3A_396[%dma_wait3A_397] : memref<512xi32, #tpu.memory_space<vmem>> -> memref<128xi32, #tpu.memory_space<vmem>>
      %dma_wait3A_399 = arith.constant 0 : i32
      %dma_wait3A_400 = arith.constant 0 : i32
      %dma_wait3A_401 = tpu.memref_slice %arg2[%dma_wait3A_399, %dma_wait3A_400] : memref<1000000x64xf32, #tpu.memory_space<hbm>> -> memref<1000000x64xf32, #tpu.memory_space<hbm>>
      tpu.wait_indirect_dma semaphore(%arg7 : memref<!tpu.dma_semaphore, #tpu.memory_space<semaphore_mem>>) src(%dma_wait3A_401 : memref<1000000x64xf32, #tpu.memory_space<hbm>>) dst(%dma_wait3A_393 : memref<128x64xf32, #tpu.memory_space<vmem>>)
      %dma_wait3A_402 = arith.constant 0 : i32
      %dma_wait3A_403 = arith.constant 0 : i32
      %dma_wait3A_404 = arith.constant 0 : i32
      %dma_wait3A_405 = tpu.memref_slice %arg6[%dma_wait3A_402, %dma_wait3A_403, %dma_wait3A_404] : memref<2x512x64xf32, #tpu.memory_space<vmem>> -> memref<1x512x64xf32, #tpu.memory_space<vmem>>
      %dma_wait3A_406 = tpu.memref_squeeze %dma_wait3A_405 : memref<1x512x64xf32, #tpu.memory_space<vmem>> -> memref<512x64xf32, #tpu.memory_space<vmem>>
      %dma_wait3A_407 = arith.constant 384 : i32
      %dma_wait3A_408 = arith.constant 0 : i32
      %dma_wait3A_409 = tpu.memref_slice %dma_wait3A_406[%dma_wait3A_407, %dma_wait3A_408] : memref<512x64xf32, #tpu.memory_space<vmem>> -> memref<128x64xf32, #tpu.memory_space<vmem>>
      %dma_wait3A_410 = arith.constant 0 : i32
      %dma_wait3A_411 = tpu.memref_slice %arg5[%add3A_353, %dma_wait3A_410] : memref<50x512xi32, #tpu.memory_space<vmem>> -> memref<1x512xi32, #tpu.memory_space<vmem>>
      %dma_wait3A_412 = tpu.memref_squeeze %dma_wait3A_411 : memref<1x512xi32, #tpu.memory_space<vmem>> -> memref<512xi32, #tpu.memory_space<vmem>>
      %dma_wait3A_413 = arith.constant 384 : i32
      %dma_wait3A_414 = tpu.memref_slice %dma_wait3A_412[%dma_wait3A_413] : memref<512xi32, #tpu.memory_space<vmem>> -> memref<128xi32, #tpu.memory_space<vmem>>
      %dma_wait3A_415 = arith.constant 0 : i32
      %dma_wait3A_416 = arith.constant 0 : i32
      %dma_wait3A_417 = tpu.memref_slice %arg2[%dma_wait3A_415, %dma_wait3A_416] : memref<1000000x64xf32, #tpu.memory_space<hbm>> -> memref<1000000x64xf32, #tpu.memory_space<hbm>>
      tpu.wait_indirect_dma semaphore(%arg7 : memref<!tpu.dma_semaphore, #tpu.memory_space<semaphore_mem>>) src(%dma_wait3A_417 : memref<1000000x64xf32, #tpu.memory_space<hbm>>) dst(%dma_wait3A_409 : memref<128x64xf32, #tpu.memory_space<vmem>>)
      %run_scoped3A_418 = arith.constant 0 : i32
      "tpu.region"() ({
        %run_scoped3A_554 = tpu.sem_alloc : memref<!tpu.dma_semaphore, #tpu.memory_space<semaphore_mem>>
        %dma_start3A_555 = arith.constant 0 : i32
        %dma_start3A_556 = arith.constant 0 : i32
        %dma_start3A_557 = tpu.memref_slice %arg6[%run_scoped3A_418, %dma_start3A_555, %dma_start3A_556] : memref<2x512x64xf32, #tpu.memory_space<vmem>> -> memref<1x512x64xf32, #tpu.memory_space<vmem>>
        %dma_start3A_558 = tpu.memref_squeeze %dma_start3A_557 : memref<1x512x64xf32, #tpu.memory_space<vmem>> -> memref<512x64xf32, #tpu.memory_space<vmem>>
        %dma_start3A_559 = arith.constant 0 : i32
        %dma_start3A_560 = tpu.memref_slice %arg4[%mul3A_2, %add3A_353, %dma_start3A_559] : memref<16384x50x64xf32, #tpu.memory_space<hbm>> -> memref<512x1x64xf32, #tpu.memory_space<hbm>>
        %dma_start3A_561 = tpu.memref_squeeze %dma_start3A_560 : memref<512x1x64xf32, #tpu.memory_space<hbm>> -> memref<512x64xf32, #tpu.memory_space<hbm>>
        %dma_start3A_562 = arith.constant 0 : i32
        %dma_start3A_563 = tpu.memref_slice %arg4[%mul3A_2, %add3A_353, %dma_start3A_562] : memref<16384x50x64xf32, #tpu.memory_space<hbm>> -> memref<512x1x64xf32, #tpu.memory_space<hbm>>
        %dma_start3A_564 = tpu.memref_squeeze %dma_start3A_563 : memref<512x1x64xf32, #tpu.memory_space<hbm>> -> memref<512x64xf32, #tpu.memory_space<hbm>>
        %dma_start3A_565 = arith.constant 0 : i32
        %dma_start3A_566 = arith.constant 0 : i32
        %dma_start3A_567 = tpu.memref_slice %arg6[%run_scoped3A_418, %dma_start3A_565, %dma_start3A_566] : memref<2x512x64xf32, #tpu.memory_space<vmem>> -> memref<1x512x64xf32, #tpu.memory_space<vmem>>
        %dma_start3A_568 = tpu.memref_squeeze %dma_start3A_567 : memref<1x512x64xf32, #tpu.memory_space<vmem>> -> memref<512x64xf32, #tpu.memory_space<vmem>>
        tpu.enqueue_dma source(%dma_start3A_568 : memref<512x64xf32, #tpu.memory_space<vmem>>) target(%dma_start3A_564 : memref<512x64xf32, #tpu.memory_space<hbm>>) target_semaphore(%run_scoped3A_554 : memref<!tpu.dma_semaphore, #tpu.memory_space<semaphore_mem>>)
        %dma_wait3A_569 = arith.constant 0 : i32
        %dma_wait3A_570 = arith.constant 0 : i32
        %dma_wait3A_571 = tpu.memref_slice %arg6[%run_scoped3A_418, %dma_wait3A_569, %dma_wait3A_570] : memref<2x512x64xf32, #tpu.memory_space<vmem>> -> memref<1x512x64xf32, #tpu.memory_space<vmem>>
        %dma_wait3A_572 = tpu.memref_squeeze %dma_wait3A_571 : memref<1x512x64xf32, #tpu.memory_space<vmem>> -> memref<512x64xf32, #tpu.memory_space<vmem>>
        %dma_wait3A_573 = arith.constant 0 : i32
        %dma_wait3A_574 = tpu.memref_slice %arg4[%mul3A_2, %add3A_353, %dma_wait3A_573] : memref<16384x50x64xf32, #tpu.memory_space<hbm>> -> memref<512x1x64xf32, #tpu.memory_space<hbm>>
        %dma_wait3A_575 = tpu.memref_squeeze %dma_wait3A_574 : memref<512x1x64xf32, #tpu.memory_space<hbm>> -> memref<512x64xf32, #tpu.memory_space<hbm>>
        %dma_wait3A_576 = arith.constant 0 : i32
        %dma_wait3A_577 = tpu.memref_slice %arg4[%mul3A_2, %add3A_353, %dma_wait3A_576] : memref<16384x50x64xf32, #tpu.memory_space<hbm>> -> memref<512x1x64xf32, #tpu.memory_space<hbm>>
        %dma_wait3A_578 = tpu.memref_squeeze %dma_wait3A_577 : memref<512x1x64xf32, #tpu.memory_space<hbm>> -> memref<512x64xf32, #tpu.memory_space<hbm>>
        %dma_wait3A_579 = arith.constant 0 : i32
        %dma_wait3A_580 = arith.constant 0 : i32
        %dma_wait3A_581 = tpu.memref_slice %arg6[%run_scoped3A_418, %dma_wait3A_579, %dma_wait3A_580] : memref<2x512x64xf32, #tpu.memory_space<vmem>> -> memref<1x512x64xf32, #tpu.memory_space<vmem>>
        %dma_wait3A_582 = tpu.memref_squeeze %dma_wait3A_581 : memref<1x512x64xf32, #tpu.memory_space<vmem>> -> memref<512x64xf32, #tpu.memory_space<vmem>>
        tpu.wait_dma2 semaphore(%run_scoped3A_554 : memref<!tpu.dma_semaphore, #tpu.memory_space<semaphore_mem>>) src(%dma_wait3A_582 : memref<512x64xf32, #tpu.memory_space<vmem>>) dst(%dma_wait3A_578 : memref<512x64xf32, #tpu.memory_space<hbm>>)
        tpu.yield
      }) : () -> ()
      %add3A_419 = arith.constant 1 : i32
      %add3A_420 = arith.addi %mul3A_283, %add3A_419 : i32
      %add3A_421 = arith.constant 1 : i32
      %add3A_422 = arith.addi %add3A_420, %add3A_421 : i32
      %dma_start3A_423 = arith.constant 0 : i32
      %dma_start3A_424 = arith.constant 0 : i32
      %dma_start3A_425 = arith.constant 0 : i32
      %dma_start3A_426 = tpu.memref_slice %arg6[%dma_start3A_423, %dma_start3A_424, %dma_start3A_425] : memref<2x512x64xf32, #tpu.memory_space<vmem>> -> memref<1x512x64xf32, #tpu.memory_space<vmem>>
      %dma_start3A_427 = tpu.memref_squeeze %dma_start3A_426 : memref<1x512x64xf32, #tpu.memory_space<vmem>> -> memref<512x64xf32, #tpu.memory_space<vmem>>
      %dma_start3A_428 = arith.constant 0 : i32
      %dma_start3A_429 = arith.constant 0 : i32
      %dma_start3A_430 = tpu.memref_slice %dma_start3A_427[%dma_start3A_428, %dma_start3A_429] : memref<512x64xf32, #tpu.memory_space<vmem>> -> memref<128x64xf32, #tpu.memory_space<vmem>>
      %dma_start3A_431 = arith.constant 0 : i32
      %dma_start3A_432 = tpu.memref_slice %arg5[%add3A_422, %dma_start3A_431] : memref<50x512xi32, #tpu.memory_space<vmem>> -> memref<1x512xi32, #tpu.memory_space<vmem>>
      %dma_start3A_433 = tpu.memref_squeeze %dma_start3A_432 : memref<1x512xi32, #tpu.memory_space<vmem>> -> memref<512xi32, #tpu.memory_space<vmem>>
      %dma_start3A_434 = arith.constant 0 : i32
      %dma_start3A_435 = tpu.memref_slice %dma_start3A_433[%dma_start3A_434] : memref<512xi32, #tpu.memory_space<vmem>> -> memref<128xi32, #tpu.memory_space<vmem>>
      %dma_start3A_436 = arith.constant 0 : i32
      %dma_start3A_437 = arith.constant 0 : i32
      %dma_start3A_438 = tpu.memref_slice %arg2[%dma_start3A_436, %dma_start3A_437] : memref<1000000x64xf32, #tpu.memory_space<hbm>> -> memref<1000000x64xf32, #tpu.memory_space<hbm>>
      tpu.enqueue_indirect_dma source(%dma_start3A_438 : memref<1000000x64xf32, #tpu.memory_space<hbm>>) target(%dma_start3A_430 : memref<128x64xf32, #tpu.memory_space<vmem>>) offsets(%dma_start3A_435 : memref<128xi32, #tpu.memory_space<vmem>>) semaphore(%arg7 : memref<!tpu.dma_semaphore, #tpu.memory_space<semaphore_mem>>)
      %dma_start3A_439 = arith.constant 0 : i32
      %dma_start3A_440 = arith.constant 0 : i32
      %dma_start3A_441 = arith.constant 0 : i32
      %dma_start3A_442 = tpu.memref_slice %arg6[%dma_start3A_439, %dma_start3A_440, %dma_start3A_441] : memref<2x512x64xf32, #tpu.memory_space<vmem>> -> memref<1x512x64xf32, #tpu.memory_space<vmem>>
      %dma_start3A_443 = tpu.memref_squeeze %dma_start3A_442 : memref<1x512x64xf32, #tpu.memory_space<vmem>> -> memref<512x64xf32, #tpu.memory_space<vmem>>
      %dma_start3A_444 = arith.constant 128 : i32
      %dma_start3A_445 = arith.constant 0 : i32
      %dma_start3A_446 = tpu.memref_slice %dma_start3A_443[%dma_start3A_444, %dma_start3A_445] : memref<512x64xf32, #tpu.memory_space<vmem>> -> memref<128x64xf32, #tpu.memory_space<vmem>>
      %dma_start3A_447 = arith.constant 0 : i32
      %dma_start3A_448 = tpu.memref_slice %arg5[%add3A_422, %dma_start3A_447] : memref<50x512xi32, #tpu.memory_space<vmem>> -> memref<1x512xi32, #tpu.memory_space<vmem>>
      %dma_start3A_449 = tpu.memref_squeeze %dma_start3A_448 : memref<1x512xi32, #tpu.memory_space<vmem>> -> memref<512xi32, #tpu.memory_space<vmem>>
      %dma_start3A_450 = arith.constant 128 : i32
      %dma_start3A_451 = tpu.memref_slice %dma_start3A_449[%dma_start3A_450] : memref<512xi32, #tpu.memory_space<vmem>> -> memref<128xi32, #tpu.memory_space<vmem>>
      %dma_start3A_452 = arith.constant 0 : i32
      %dma_start3A_453 = arith.constant 0 : i32
      %dma_start3A_454 = tpu.memref_slice %arg2[%dma_start3A_452, %dma_start3A_453] : memref<1000000x64xf32, #tpu.memory_space<hbm>> -> memref<1000000x64xf32, #tpu.memory_space<hbm>>
      tpu.enqueue_indirect_dma source(%dma_start3A_454 : memref<1000000x64xf32, #tpu.memory_space<hbm>>) target(%dma_start3A_446 : memref<128x64xf32, #tpu.memory_space<vmem>>) offsets(%dma_start3A_451 : memref<128xi32, #tpu.memory_space<vmem>>) semaphore(%arg7 : memref<!tpu.dma_semaphore, #tpu.memory_space<semaphore_mem>>)
      %dma_start3A_455 = arith.constant 0 : i32
      %dma_start3A_456 = arith.constant 0 : i32
      %dma_start3A_457 = arith.constant 0 : i32
      %dma_start3A_458 = tpu.memref_slice %arg6[%dma_start3A_455, %dma_start3A_456, %dma_start3A_457] : memref<2x512x64xf32, #tpu.memory_space<vmem>> -> memref<1x512x64xf32, #tpu.memory_space<vmem>>
      %dma_start3A_459 = tpu.memref_squeeze %dma_start3A_458 : memref<1x512x64xf32, #tpu.memory_space<vmem>> -> memref<512x64xf32, #tpu.memory_space<vmem>>
      %dma_start3A_460 = arith.constant 256 : i32
      %dma_start3A_461 = arith.constant 0 : i32
      %dma_start3A_462 = tpu.memref_slice %dma_start3A_459[%dma_start3A_460, %dma_start3A_461] : memref<512x64xf32, #tpu.memory_space<vmem>> -> memref<128x64xf32, #tpu.memory_space<vmem>>
      %dma_start3A_463 = arith.constant 0 : i32
      %dma_start3A_464 = tpu.memref_slice %arg5[%add3A_422, %dma_start3A_463] : memref<50x512xi32, #tpu.memory_space<vmem>> -> memref<1x512xi32, #tpu.memory_space<vmem>>
      %dma_start3A_465 = tpu.memref_squeeze %dma_start3A_464 : memref<1x512xi32, #tpu.memory_space<vmem>> -> memref<512xi32, #tpu.memory_space<vmem>>
      %dma_start3A_466 = arith.constant 256 : i32
      %dma_start3A_467 = tpu.memref_slice %dma_start3A_465[%dma_start3A_466] : memref<512xi32, #tpu.memory_space<vmem>> -> memref<128xi32, #tpu.memory_space<vmem>>
      %dma_start3A_468 = arith.constant 0 : i32
      %dma_start3A_469 = arith.constant 0 : i32
      %dma_start3A_470 = tpu.memref_slice %arg2[%dma_start3A_468, %dma_start3A_469] : memref<1000000x64xf32, #tpu.memory_space<hbm>> -> memref<1000000x64xf32, #tpu.memory_space<hbm>>
      tpu.enqueue_indirect_dma source(%dma_start3A_470 : memref<1000000x64xf32, #tpu.memory_space<hbm>>) target(%dma_start3A_462 : memref<128x64xf32, #tpu.memory_space<vmem>>) offsets(%dma_start3A_467 : memref<128xi32, #tpu.memory_space<vmem>>) semaphore(%arg7 : memref<!tpu.dma_semaphore, #tpu.memory_space<semaphore_mem>>)
      %dma_start3A_471 = arith.constant 0 : i32
      %dma_start3A_472 = arith.constant 0 : i32
      %dma_start3A_473 = arith.constant 0 : i32
      %dma_start3A_474 = tpu.memref_slice %arg6[%dma_start3A_471, %dma_start3A_472, %dma_start3A_473] : memref<2x512x64xf32, #tpu.memory_space<vmem>> -> memref<1x512x64xf32, #tpu.memory_space<vmem>>
      %dma_start3A_475 = tpu.memref_squeeze %dma_start3A_474 : memref<1x512x64xf32, #tpu.memory_space<vmem>> -> memref<512x64xf32, #tpu.memory_space<vmem>>
      %dma_start3A_476 = arith.constant 384 : i32
      %dma_start3A_477 = arith.constant 0 : i32
      %dma_start3A_478 = tpu.memref_slice %dma_start3A_475[%dma_start3A_476, %dma_start3A_477] : memref<512x64xf32, #tpu.memory_space<vmem>> -> memref<128x64xf32, #tpu.memory_space<vmem>>
      %dma_start3A_479 = arith.constant 0 : i32
      %dma_start3A_480 = tpu.memref_slice %arg5[%add3A_422, %dma_start3A_479] : memref<50x512xi32, #tpu.memory_space<vmem>> -> memref<1x512xi32, #tpu.memory_space<vmem>>
      %dma_start3A_481 = tpu.memref_squeeze %dma_start3A_480 : memref<1x512xi32, #tpu.memory_space<vmem>> -> memref<512xi32, #tpu.memory_space<vmem>>
      %dma_start3A_482 = arith.constant 384 : i32
      %dma_start3A_483 = tpu.memref_slice %dma_start3A_481[%dma_start3A_482] : memref<512xi32, #tpu.memory_space<vmem>> -> memref<128xi32, #tpu.memory_space<vmem>>
      %dma_start3A_484 = arith.constant 0 : i32
      %dma_start3A_485 = arith.constant 0 : i32
      %dma_start3A_486 = tpu.memref_slice %arg2[%dma_start3A_484, %dma_start3A_485] : memref<1000000x64xf32, #tpu.memory_space<hbm>> -> memref<1000000x64xf32, #tpu.memory_space<hbm>>
      tpu.enqueue_indirect_dma source(%dma_start3A_486 : memref<1000000x64xf32, #tpu.memory_space<hbm>>) target(%dma_start3A_478 : memref<128x64xf32, #tpu.memory_space<vmem>>) offsets(%dma_start3A_483 : memref<128xi32, #tpu.memory_space<vmem>>) semaphore(%arg7 : memref<!tpu.dma_semaphore, #tpu.memory_space<semaphore_mem>>)
      %add3A_487 = arith.constant 1 : i32
      %add3A_488 = arith.addi %mul3A_283, %add3A_487 : i32
      %dma_wait3A_489 = arith.constant 1 : i32
      %dma_wait3A_490 = arith.constant 0 : i32
      %dma_wait3A_491 = arith.constant 0 : i32
      %dma_wait3A_492 = tpu.memref_slice %arg6[%dma_wait3A_489, %dma_wait3A_490, %dma_wait3A_491] : memref<2x512x64xf32, #tpu.memory_space<vmem>> -> memref<1x512x64xf32, #tpu.memory_space<vmem>>
      %dma_wait3A_493 = tpu.memref_squeeze %dma_wait3A_492 : memref<1x512x64xf32, #tpu.memory_space<vmem>> -> memref<512x64xf32, #tpu.memory_space<vmem>>
      %dma_wait3A_494 = arith.constant 0 : i32
      %dma_wait3A_495 = arith.constant 0 : i32
      %dma_wait3A_496 = tpu.memref_slice %dma_wait3A_493[%dma_wait3A_494, %dma_wait3A_495] : memref<512x64xf32, #tpu.memory_space<vmem>> -> memref<128x64xf32, #tpu.memory_space<vmem>>
      %dma_wait3A_497 = arith.constant 0 : i32
      %dma_wait3A_498 = tpu.memref_slice %arg5[%add3A_488, %dma_wait3A_497] : memref<50x512xi32, #tpu.memory_space<vmem>> -> memref<1x512xi32, #tpu.memory_space<vmem>>
      %dma_wait3A_499 = tpu.memref_squeeze %dma_wait3A_498 : memref<1x512xi32, #tpu.memory_space<vmem>> -> memref<512xi32, #tpu.memory_space<vmem>>
      %dma_wait3A_500 = arith.constant 0 : i32
      %dma_wait3A_501 = tpu.memref_slice %dma_wait3A_499[%dma_wait3A_500] : memref<512xi32, #tpu.memory_space<vmem>> -> memref<128xi32, #tpu.memory_space<vmem>>
      %dma_wait3A_502 = arith.constant 0 : i32
      %dma_wait3A_503 = arith.constant 0 : i32
      %dma_wait3A_504 = tpu.memref_slice %arg2[%dma_wait3A_502, %dma_wait3A_503] : memref<1000000x64xf32, #tpu.memory_space<hbm>> -> memref<1000000x64xf32, #tpu.memory_space<hbm>>
      tpu.wait_indirect_dma semaphore(%arg8 : memref<!tpu.dma_semaphore, #tpu.memory_space<semaphore_mem>>) src(%dma_wait3A_504 : memref<1000000x64xf32, #tpu.memory_space<hbm>>) dst(%dma_wait3A_496 : memref<128x64xf32, #tpu.memory_space<vmem>>)
      %dma_wait3A_505 = arith.constant 1 : i32
      %dma_wait3A_506 = arith.constant 0 : i32
      %dma_wait3A_507 = arith.constant 0 : i32
      %dma_wait3A_508 = tpu.memref_slice %arg6[%dma_wait3A_505, %dma_wait3A_506, %dma_wait3A_507] : memref<2x512x64xf32, #tpu.memory_space<vmem>> -> memref<1x512x64xf32, #tpu.memory_space<vmem>>
      %dma_wait3A_509 = tpu.memref_squeeze %dma_wait3A_508 : memref<1x512x64xf32, #tpu.memory_space<vmem>> -> memref<512x64xf32, #tpu.memory_space<vmem>>
      %dma_wait3A_510 = arith.constant 128 : i32
      %dma_wait3A_511 = arith.constant 0 : i32
      %dma_wait3A_512 = tpu.memref_slice %dma_wait3A_509[%dma_wait3A_510, %dma_wait3A_511] : memref<512x64xf32, #tpu.memory_space<vmem>> -> memref<128x64xf32, #tpu.memory_space<vmem>>
      %dma_wait3A_513 = arith.constant 0 : i32
      %dma_wait3A_514 = tpu.memref_slice %arg5[%add3A_488, %dma_wait3A_513] : memref<50x512xi32, #tpu.memory_space<vmem>> -> memref<1x512xi32, #tpu.memory_space<vmem>>
      %dma_wait3A_515 = tpu.memref_squeeze %dma_wait3A_514 : memref<1x512xi32, #tpu.memory_space<vmem>> -> memref<512xi32, #tpu.memory_space<vmem>>
      %dma_wait3A_516 = arith.constant 128 : i32
      %dma_wait3A_517 = tpu.memref_slice %dma_wait3A_515[%dma_wait3A_516] : memref<512xi32, #tpu.memory_space<vmem>> -> memref<128xi32, #tpu.memory_space<vmem>>
      %dma_wait3A_518 = arith.constant 0 : i32
      %dma_wait3A_519 = arith.constant 0 : i32
      %dma_wait3A_520 = tpu.memref_slice %arg2[%dma_wait3A_518, %dma_wait3A_519] : memref<1000000x64xf32, #tpu.memory_space<hbm>> -> memref<1000000x64xf32, #tpu.memory_space<hbm>>
      tpu.wait_indirect_dma semaphore(%arg8 : memref<!tpu.dma_semaphore, #tpu.memory_space<semaphore_mem>>) src(%dma_wait3A_520 : memref<1000000x64xf32, #tpu.memory_space<hbm>>) dst(%dma_wait3A_512 : memref<128x64xf32, #tpu.memory_space<vmem>>)
      %dma_wait3A_521 = arith.constant 1 : i32
      %dma_wait3A_522 = arith.constant 0 : i32
      %dma_wait3A_523 = arith.constant 0 : i32
      %dma_wait3A_524 = tpu.memref_slice %arg6[%dma_wait3A_521, %dma_wait3A_522, %dma_wait3A_523] : memref<2x512x64xf32, #tpu.memory_space<vmem>> -> memref<1x512x64xf32, #tpu.memory_space<vmem>>
      %dma_wait3A_525 = tpu.memref_squeeze %dma_wait3A_524 : memref<1x512x64xf32, #tpu.memory_space<vmem>> -> memref<512x64xf32, #tpu.memory_space<vmem>>
      %dma_wait3A_526 = arith.constant 256 : i32
      %dma_wait3A_527 = arith.constant 0 : i32
      %dma_wait3A_528 = tpu.memref_slice %dma_wait3A_525[%dma_wait3A_526, %dma_wait3A_527] : memref<512x64xf32, #tpu.memory_space<vmem>> -> memref<128x64xf32, #tpu.memory_space<vmem>>
      %dma_wait3A_529 = arith.constant 0 : i32
      %dma_wait3A_530 = tpu.memref_slice %arg5[%add3A_488, %dma_wait3A_529] : memref<50x512xi32, #tpu.memory_space<vmem>> -> memref<1x512xi32, #tpu.memory_space<vmem>>
      %dma_wait3A_531 = tpu.memref_squeeze %dma_wait3A_530 : memref<1x512xi32, #tpu.memory_space<vmem>> -> memref<512xi32, #tpu.memory_space<vmem>>
      %dma_wait3A_532 = arith.constant 256 : i32
      %dma_wait3A_533 = tpu.memref_slice %dma_wait3A_531[%dma_wait3A_532] : memref<512xi32, #tpu.memory_space<vmem>> -> memref<128xi32, #tpu.memory_space<vmem>>
      %dma_wait3A_534 = arith.constant 0 : i32
      %dma_wait3A_535 = arith.constant 0 : i32
      %dma_wait3A_536 = tpu.memref_slice %arg2[%dma_wait3A_534, %dma_wait3A_535] : memref<1000000x64xf32, #tpu.memory_space<hbm>> -> memref<1000000x64xf32, #tpu.memory_space<hbm>>
      tpu.wait_indirect_dma semaphore(%arg8 : memref<!tpu.dma_semaphore, #tpu.memory_space<semaphore_mem>>) src(%dma_wait3A_536 : memref<1000000x64xf32, #tpu.memory_space<hbm>>) dst(%dma_wait3A_528 : memref<128x64xf32, #tpu.memory_space<vmem>>)
      %dma_wait3A_537 = arith.constant 1 : i32
      %dma_wait3A_538 = arith.constant 0 : i32
      %dma_wait3A_539 = arith.constant 0 : i32
      %dma_wait3A_540 = tpu.memref_slice %arg6[%dma_wait3A_537, %dma_wait3A_538, %dma_wait3A_539] : memref<2x512x64xf32, #tpu.memory_space<vmem>> -> memref<1x512x64xf32, #tpu.memory_space<vmem>>
      %dma_wait3A_541 = tpu.memref_squeeze %dma_wait3A_540 : memref<1x512x64xf32, #tpu.memory_space<vmem>> -> memref<512x64xf32, #tpu.memory_space<vmem>>
      %dma_wait3A_542 = arith.constant 384 : i32
      %dma_wait3A_543 = arith.constant 0 : i32
      %dma_wait3A_544 = tpu.memref_slice %dma_wait3A_541[%dma_wait3A_542, %dma_wait3A_543] : memref<512x64xf32, #tpu.memory_space<vmem>> -> memref<128x64xf32, #tpu.memory_space<vmem>>
      %dma_wait3A_545 = arith.constant 0 : i32
      %dma_wait3A_546 = tpu.memref_slice %arg5[%add3A_488, %dma_wait3A_545] : memref<50x512xi32, #tpu.memory_space<vmem>> -> memref<1x512xi32, #tpu.memory_space<vmem>>
      %dma_wait3A_547 = tpu.memref_squeeze %dma_wait3A_546 : memref<1x512xi32, #tpu.memory_space<vmem>> -> memref<512xi32, #tpu.memory_space<vmem>>
      %dma_wait3A_548 = arith.constant 384 : i32
      %dma_wait3A_549 = tpu.memref_slice %dma_wait3A_547[%dma_wait3A_548] : memref<512xi32, #tpu.memory_space<vmem>> -> memref<128xi32, #tpu.memory_space<vmem>>
      %dma_wait3A_550 = arith.constant 0 : i32
      %dma_wait3A_551 = arith.constant 0 : i32
      %dma_wait3A_552 = tpu.memref_slice %arg2[%dma_wait3A_550, %dma_wait3A_551] : memref<1000000x64xf32, #tpu.memory_space<hbm>> -> memref<1000000x64xf32, #tpu.memory_space<hbm>>
      tpu.wait_indirect_dma semaphore(%arg8 : memref<!tpu.dma_semaphore, #tpu.memory_space<semaphore_mem>>) src(%dma_wait3A_552 : memref<1000000x64xf32, #tpu.memory_space<hbm>>) dst(%dma_wait3A_544 : memref<128x64xf32, #tpu.memory_space<vmem>>)
      %run_scoped3A_553 = arith.constant 1 : i32
      "tpu.region"() ({
        %run_scoped3A_554 = tpu.sem_alloc : memref<!tpu.dma_semaphore, #tpu.memory_space<semaphore_mem>>
        %dma_start3A_555 = arith.constant 0 : i32
        %dma_start3A_556 = arith.constant 0 : i32
        %dma_start3A_557 = tpu.memref_slice %arg6[%run_scoped3A_553, %dma_start3A_555, %dma_start3A_556] : memref<2x512x64xf32, #tpu.memory_space<vmem>> -> memref<1x512x64xf32, #tpu.memory_space<vmem>>
        %dma_start3A_558 = tpu.memref_squeeze %dma_start3A_557 : memref<1x512x64xf32, #tpu.memory_space<vmem>> -> memref<512x64xf32, #tpu.memory_space<vmem>>
        %dma_start3A_559 = arith.constant 0 : i32
        %dma_start3A_560 = tpu.memref_slice %arg4[%mul3A_2, %add3A_488, %dma_start3A_559] : memref<16384x50x64xf32, #tpu.memory_space<hbm>> -> memref<512x1x64xf32, #tpu.memory_space<hbm>>
        %dma_start3A_561 = tpu.memref_squeeze %dma_start3A_560 : memref<512x1x64xf32, #tpu.memory_space<hbm>> -> memref<512x64xf32, #tpu.memory_space<hbm>>
        %dma_start3A_562 = arith.constant 0 : i32
        %dma_start3A_563 = tpu.memref_slice %arg4[%mul3A_2, %add3A_488, %dma_start3A_562] : memref<16384x50x64xf32, #tpu.memory_space<hbm>> -> memref<512x1x64xf32, #tpu.memory_space<hbm>>
        %dma_start3A_564 = tpu.memref_squeeze %dma_start3A_563 : memref<512x1x64xf32, #tpu.memory_space<hbm>> -> memref<512x64xf32, #tpu.memory_space<hbm>>
        %dma_start3A_565 = arith.constant 0 : i32
        %dma_start3A_566 = arith.constant 0 : i32
        %dma_start3A_567 = tpu.memref_slice %arg6[%run_scoped3A_553, %dma_start3A_565, %dma_start3A_566] : memref<2x512x64xf32, #tpu.memory_space<vmem>> -> memref<1x512x64xf32, #tpu.memory_space<vmem>>
        %dma_start3A_568 = tpu.memref_squeeze %dma_start3A_567 : memref<1x512x64xf32, #tpu.memory_space<vmem>> -> memref<512x64xf32, #tpu.memory_space<vmem>>
        tpu.enqueue_dma source(%dma_start3A_568 : memref<512x64xf32, #tpu.memory_space<vmem>>) target(%dma_start3A_564 : memref<512x64xf32, #tpu.memory_space<hbm>>) target_semaphore(%run_scoped3A_554 : memref<!tpu.dma_semaphore, #tpu.memory_space<semaphore_mem>>)
        %dma_wait3A_569 = arith.constant 0 : i32
        %dma_wait3A_570 = arith.constant 0 : i32
        %dma_wait3A_571 = tpu.memref_slice %arg6[%run_scoped3A_553, %dma_wait3A_569, %dma_wait3A_570] : memref<2x512x64xf32, #tpu.memory_space<vmem>> -> memref<1x512x64xf32, #tpu.memory_space<vmem>>
        %dma_wait3A_572 = tpu.memref_squeeze %dma_wait3A_571 : memref<1x512x64xf32, #tpu.memory_space<vmem>> -> memref<512x64xf32, #tpu.memory_space<vmem>>
        %dma_wait3A_573 = arith.constant 0 : i32
        %dma_wait3A_574 = tpu.memref_slice %arg4[%mul3A_2, %add3A_488, %dma_wait3A_573] : memref<16384x50x64xf32, #tpu.memory_space<hbm>> -> memref<512x1x64xf32, #tpu.memory_space<hbm>>
        %dma_wait3A_575 = tpu.memref_squeeze %dma_wait3A_574 : memref<512x1x64xf32, #tpu.memory_space<hbm>> -> memref<512x64xf32, #tpu.memory_space<hbm>>
        %dma_wait3A_576 = arith.constant 0 : i32
        %dma_wait3A_577 = tpu.memref_slice %arg4[%mul3A_2, %add3A_488, %dma_wait3A_576] : memref<16384x50x64xf32, #tpu.memory_space<hbm>> -> memref<512x1x64xf32, #tpu.memory_space<hbm>>
        %dma_wait3A_578 = tpu.memref_squeeze %dma_wait3A_577 : memref<512x1x64xf32, #tpu.memory_space<hbm>> -> memref<512x64xf32, #tpu.memory_space<hbm>>
        %dma_wait3A_579 = arith.constant 0 : i32
        %dma_wait3A_580 = arith.constant 0 : i32
        %dma_wait3A_581 = tpu.memref_slice %arg6[%run_scoped3A_553, %dma_wait3A_579, %dma_wait3A_580] : memref<2x512x64xf32, #tpu.memory_space<vmem>> -> memref<1x512x64xf32, #tpu.memory_space<vmem>>
        %dma_wait3A_582 = tpu.memref_squeeze %dma_wait3A_581 : memref<1x512x64xf32, #tpu.memory_space<vmem>> -> memref<512x64xf32, #tpu.memory_space<vmem>>
        tpu.wait_dma2 semaphore(%run_scoped3A_554 : memref<!tpu.dma_semaphore, #tpu.memory_space<semaphore_mem>>) src(%dma_wait3A_582 : memref<512x64xf32, #tpu.memory_space<vmem>>) dst(%dma_wait3A_578 : memref<512x64xf32, #tpu.memory_space<hbm>>)
        tpu.yield
      }) : () -> ()
    }
    %scan3A_74 = arith.constant 24 : i32
    %dma_start3A_75 = arith.constant 49 : i32
    %dma_start3A_76 = arith.constant 1 : i32
    %dma_start3A_77 = arith.constant 0 : i32
    %dma_start3A_78 = arith.constant 0 : i32
    %dma_start3A_79 = tpu.memref_slice %arg6[%dma_start3A_76, %dma_start3A_77, %dma_start3A_78] : memref<2x512x64xf32, #tpu.memory_space<vmem>> -> memref<1x512x64xf32, #tpu.memory_space<vmem>>
    %dma_start3A_80 = tpu.memref_squeeze %dma_start3A_79 : memref<1x512x64xf32, #tpu.memory_space<vmem>> -> memref<512x64xf32, #tpu.memory_space<vmem>>
    %dma_start3A_81 = arith.constant 0 : i32
    %dma_start3A_82 = arith.constant 0 : i32
    %dma_start3A_83 = tpu.memref_slice %dma_start3A_80[%dma_start3A_81, %dma_start3A_82] : memref<512x64xf32, #tpu.memory_space<vmem>> -> memref<128x64xf32, #tpu.memory_space<vmem>>
    %dma_start3A_84 = arith.constant 0 : i32
    %dma_start3A_85 = tpu.memref_slice %arg5[%dma_start3A_75, %dma_start3A_84] : memref<50x512xi32, #tpu.memory_space<vmem>> -> memref<1x512xi32, #tpu.memory_space<vmem>>
    %dma_start3A_86 = tpu.memref_squeeze %dma_start3A_85 : memref<1x512xi32, #tpu.memory_space<vmem>> -> memref<512xi32, #tpu.memory_space<vmem>>
    %dma_start3A_87 = arith.constant 0 : i32
    %dma_start3A_88 = tpu.memref_slice %dma_start3A_86[%dma_start3A_87] : memref<512xi32, #tpu.memory_space<vmem>> -> memref<128xi32, #tpu.memory_space<vmem>>
    %dma_start3A_89 = arith.constant 0 : i32
    %dma_start3A_90 = arith.constant 0 : i32
    %dma_start3A_91 = tpu.memref_slice %arg2[%dma_start3A_89, %dma_start3A_90] : memref<1000000x64xf32, #tpu.memory_space<hbm>> -> memref<1000000x64xf32, #tpu.memory_space<hbm>>
    tpu.enqueue_indirect_dma source(%dma_start3A_91 : memref<1000000x64xf32, #tpu.memory_space<hbm>>) target(%dma_start3A_83 : memref<128x64xf32, #tpu.memory_space<vmem>>) offsets(%dma_start3A_88 : memref<128xi32, #tpu.memory_space<vmem>>) semaphore(%arg8 : memref<!tpu.dma_semaphore, #tpu.memory_space<semaphore_mem>>)
    %dma_start3A_92 = arith.constant 49 : i32
    %dma_start3A_93 = arith.constant 1 : i32
    %dma_start3A_94 = arith.constant 0 : i32
    %dma_start3A_95 = arith.constant 0 : i32
    %dma_start3A_96 = tpu.memref_slice %arg6[%dma_start3A_93, %dma_start3A_94, %dma_start3A_95] : memref<2x512x64xf32, #tpu.memory_space<vmem>> -> memref<1x512x64xf32, #tpu.memory_space<vmem>>
    %dma_start3A_97 = tpu.memref_squeeze %dma_start3A_96 : memref<1x512x64xf32, #tpu.memory_space<vmem>> -> memref<512x64xf32, #tpu.memory_space<vmem>>
    %dma_start3A_98 = arith.constant 128 : i32
    %dma_start3A_99 = arith.constant 0 : i32
    %dma_start3A_100 = tpu.memref_slice %dma_start3A_97[%dma_start3A_98, %dma_start3A_99] : memref<512x64xf32, #tpu.memory_space<vmem>> -> memref<128x64xf32, #tpu.memory_space<vmem>>
    %dma_start3A_101 = arith.constant 0 : i32
    %dma_start3A_102 = tpu.memref_slice %arg5[%dma_start3A_92, %dma_start3A_101] : memref<50x512xi32, #tpu.memory_space<vmem>> -> memref<1x512xi32, #tpu.memory_space<vmem>>
    %dma_start3A_103 = tpu.memref_squeeze %dma_start3A_102 : memref<1x512xi32, #tpu.memory_space<vmem>> -> memref<512xi32, #tpu.memory_space<vmem>>
    %dma_start3A_104 = arith.constant 128 : i32
    %dma_start3A_105 = tpu.memref_slice %dma_start3A_103[%dma_start3A_104] : memref<512xi32, #tpu.memory_space<vmem>> -> memref<128xi32, #tpu.memory_space<vmem>>
    %dma_start3A_106 = arith.constant 0 : i32
    %dma_start3A_107 = arith.constant 0 : i32
    %dma_start3A_108 = tpu.memref_slice %arg2[%dma_start3A_106, %dma_start3A_107] : memref<1000000x64xf32, #tpu.memory_space<hbm>> -> memref<1000000x64xf32, #tpu.memory_space<hbm>>
    tpu.enqueue_indirect_dma source(%dma_start3A_108 : memref<1000000x64xf32, #tpu.memory_space<hbm>>) target(%dma_start3A_100 : memref<128x64xf32, #tpu.memory_space<vmem>>) offsets(%dma_start3A_105 : memref<128xi32, #tpu.memory_space<vmem>>) semaphore(%arg8 : memref<!tpu.dma_semaphore, #tpu.memory_space<semaphore_mem>>)
    %dma_start3A_109 = arith.constant 49 : i32
    %dma_start3A_110 = arith.constant 1 : i32
    %dma_start3A_111 = arith.constant 0 : i32
    %dma_start3A_112 = arith.constant 0 : i32
    %dma_start3A_113 = tpu.memref_slice %arg6[%dma_start3A_110, %dma_start3A_111, %dma_start3A_112] : memref<2x512x64xf32, #tpu.memory_space<vmem>> -> memref<1x512x64xf32, #tpu.memory_space<vmem>>
    %dma_start3A_114 = tpu.memref_squeeze %dma_start3A_113 : memref<1x512x64xf32, #tpu.memory_space<vmem>> -> memref<512x64xf32, #tpu.memory_space<vmem>>
    %dma_start3A_115 = arith.constant 256 : i32
    %dma_start3A_116 = arith.constant 0 : i32
    %dma_start3A_117 = tpu.memref_slice %dma_start3A_114[%dma_start3A_115, %dma_start3A_116] : memref<512x64xf32, #tpu.memory_space<vmem>> -> memref<128x64xf32, #tpu.memory_space<vmem>>
    %dma_start3A_118 = arith.constant 0 : i32
    %dma_start3A_119 = tpu.memref_slice %arg5[%dma_start3A_109, %dma_start3A_118] : memref<50x512xi32, #tpu.memory_space<vmem>> -> memref<1x512xi32, #tpu.memory_space<vmem>>
    %dma_start3A_120 = tpu.memref_squeeze %dma_start3A_119 : memref<1x512xi32, #tpu.memory_space<vmem>> -> memref<512xi32, #tpu.memory_space<vmem>>
    %dma_start3A_121 = arith.constant 256 : i32
    %dma_start3A_122 = tpu.memref_slice %dma_start3A_120[%dma_start3A_121] : memref<512xi32, #tpu.memory_space<vmem>> -> memref<128xi32, #tpu.memory_space<vmem>>
    %dma_start3A_123 = arith.constant 0 : i32
    %dma_start3A_124 = arith.constant 0 : i32
    %dma_start3A_125 = tpu.memref_slice %arg2[%dma_start3A_123, %dma_start3A_124] : memref<1000000x64xf32, #tpu.memory_space<hbm>> -> memref<1000000x64xf32, #tpu.memory_space<hbm>>
    tpu.enqueue_indirect_dma source(%dma_start3A_125 : memref<1000000x64xf32, #tpu.memory_space<hbm>>) target(%dma_start3A_117 : memref<128x64xf32, #tpu.memory_space<vmem>>) offsets(%dma_start3A_122 : memref<128xi32, #tpu.memory_space<vmem>>) semaphore(%arg8 : memref<!tpu.dma_semaphore, #tpu.memory_space<semaphore_mem>>)
    %dma_start3A_126 = arith.constant 49 : i32
    %dma_start3A_127 = arith.constant 1 : i32
    %dma_start3A_128 = arith.constant 0 : i32
    %dma_start3A_129 = arith.constant 0 : i32
    %dma_start3A_130 = tpu.memref_slice %arg6[%dma_start3A_127, %dma_start3A_128, %dma_start3A_129] : memref<2x512x64xf32, #tpu.memory_space<vmem>> -> memref<1x512x64xf32, #tpu.memory_space<vmem>>
    %dma_start3A_131 = tpu.memref_squeeze %dma_start3A_130 : memref<1x512x64xf32, #tpu.memory_space<vmem>> -> memref<512x64xf32, #tpu.memory_space<vmem>>
    %dma_start3A_132 = arith.constant 384 : i32
    %dma_start3A_133 = arith.constant 0 : i32
    %dma_start3A_134 = tpu.memref_slice %dma_start3A_131[%dma_start3A_132, %dma_start3A_133] : memref<512x64xf32, #tpu.memory_space<vmem>> -> memref<128x64xf32, #tpu.memory_space<vmem>>
    %dma_start3A_135 = arith.constant 0 : i32
    %dma_start3A_136 = tpu.memref_slice %arg5[%dma_start3A_126, %dma_start3A_135] : memref<50x512xi32, #tpu.memory_space<vmem>> -> memref<1x512xi32, #tpu.memory_space<vmem>>
    %dma_start3A_137 = tpu.memref_squeeze %dma_start3A_136 : memref<1x512xi32, #tpu.memory_space<vmem>> -> memref<512xi32, #tpu.memory_space<vmem>>
    %dma_start3A_138 = arith.constant 384 : i32
    %dma_start3A_139 = tpu.memref_slice %dma_start3A_137[%dma_start3A_138] : memref<512xi32, #tpu.memory_space<vmem>> -> memref<128xi32, #tpu.memory_space<vmem>>
    %dma_start3A_140 = arith.constant 0 : i32
    %dma_start3A_141 = arith.constant 0 : i32
    %dma_start3A_142 = tpu.memref_slice %arg2[%dma_start3A_140, %dma_start3A_141] : memref<1000000x64xf32, #tpu.memory_space<hbm>> -> memref<1000000x64xf32, #tpu.memory_space<hbm>>
    tpu.enqueue_indirect_dma source(%dma_start3A_142 : memref<1000000x64xf32, #tpu.memory_space<hbm>>) target(%dma_start3A_134 : memref<128x64xf32, #tpu.memory_space<vmem>>) offsets(%dma_start3A_139 : memref<128xi32, #tpu.memory_space<vmem>>) semaphore(%arg8 : memref<!tpu.dma_semaphore, #tpu.memory_space<semaphore_mem>>)
    %dma_wait3A = arith.constant 48 : i32
    %dma_wait3A_143 = arith.constant 0 : i32
    %dma_wait3A_144 = arith.constant 0 : i32
    %dma_wait3A_145 = arith.constant 0 : i32
    %dma_wait3A_146 = tpu.memref_slice %arg6[%dma_wait3A_143, %dma_wait3A_144, %dma_wait3A_145] : memref<2x512x64xf32, #tpu.memory_space<vmem>> -> memref<1x512x64xf32, #tpu.memory_space<vmem>>
    %dma_wait3A_147 = tpu.memref_squeeze %dma_wait3A_146 : memref<1x512x64xf32, #tpu.memory_space<vmem>> -> memref<512x64xf32, #tpu.memory_space<vmem>>
    %dma_wait3A_148 = arith.constant 0 : i32
    %dma_wait3A_149 = arith.constant 0 : i32
    %dma_wait3A_150 = tpu.memref_slice %dma_wait3A_147[%dma_wait3A_148, %dma_wait3A_149] : memref<512x64xf32, #tpu.memory_space<vmem>> -> memref<128x64xf32, #tpu.memory_space<vmem>>
    %dma_wait3A_151 = arith.constant 0 : i32
    %dma_wait3A_152 = tpu.memref_slice %arg5[%dma_wait3A, %dma_wait3A_151] : memref<50x512xi32, #tpu.memory_space<vmem>> -> memref<1x512xi32, #tpu.memory_space<vmem>>
    %dma_wait3A_153 = tpu.memref_squeeze %dma_wait3A_152 : memref<1x512xi32, #tpu.memory_space<vmem>> -> memref<512xi32, #tpu.memory_space<vmem>>
    %dma_wait3A_154 = arith.constant 0 : i32
    %dma_wait3A_155 = tpu.memref_slice %dma_wait3A_153[%dma_wait3A_154] : memref<512xi32, #tpu.memory_space<vmem>> -> memref<128xi32, #tpu.memory_space<vmem>>
    %dma_wait3A_156 = arith.constant 0 : i32
    %dma_wait3A_157 = arith.constant 0 : i32
    %dma_wait3A_158 = tpu.memref_slice %arg2[%dma_wait3A_156, %dma_wait3A_157] : memref<1000000x64xf32, #tpu.memory_space<hbm>> -> memref<1000000x64xf32, #tpu.memory_space<hbm>>
    tpu.wait_indirect_dma semaphore(%arg7 : memref<!tpu.dma_semaphore, #tpu.memory_space<semaphore_mem>>) src(%dma_wait3A_158 : memref<1000000x64xf32, #tpu.memory_space<hbm>>) dst(%dma_wait3A_150 : memref<128x64xf32, #tpu.memory_space<vmem>>)
    %dma_wait3A_159 = arith.constant 48 : i32
    %dma_wait3A_160 = arith.constant 0 : i32
    %dma_wait3A_161 = arith.constant 0 : i32
    %dma_wait3A_162 = arith.constant 0 : i32
    %dma_wait3A_163 = tpu.memref_slice %arg6[%dma_wait3A_160, %dma_wait3A_161, %dma_wait3A_162] : memref<2x512x64xf32, #tpu.memory_space<vmem>> -> memref<1x512x64xf32, #tpu.memory_space<vmem>>
    %dma_wait3A_164 = tpu.memref_squeeze %dma_wait3A_163 : memref<1x512x64xf32, #tpu.memory_space<vmem>> -> memref<512x64xf32, #tpu.memory_space<vmem>>
    %dma_wait3A_165 = arith.constant 128 : i32
    %dma_wait3A_166 = arith.constant 0 : i32
    %dma_wait3A_167 = tpu.memref_slice %dma_wait3A_164[%dma_wait3A_165, %dma_wait3A_166] : memref<512x64xf32, #tpu.memory_space<vmem>> -> memref<128x64xf32, #tpu.memory_space<vmem>>
    %dma_wait3A_168 = arith.constant 0 : i32
    %dma_wait3A_169 = tpu.memref_slice %arg5[%dma_wait3A_159, %dma_wait3A_168] : memref<50x512xi32, #tpu.memory_space<vmem>> -> memref<1x512xi32, #tpu.memory_space<vmem>>
    %dma_wait3A_170 = tpu.memref_squeeze %dma_wait3A_169 : memref<1x512xi32, #tpu.memory_space<vmem>> -> memref<512xi32, #tpu.memory_space<vmem>>
    %dma_wait3A_171 = arith.constant 128 : i32
    %dma_wait3A_172 = tpu.memref_slice %dma_wait3A_170[%dma_wait3A_171] : memref<512xi32, #tpu.memory_space<vmem>> -> memref<128xi32, #tpu.memory_space<vmem>>
    %dma_wait3A_173 = arith.constant 0 : i32
    %dma_wait3A_174 = arith.constant 0 : i32
    %dma_wait3A_175 = tpu.memref_slice %arg2[%dma_wait3A_173, %dma_wait3A_174] : memref<1000000x64xf32, #tpu.memory_space<hbm>> -> memref<1000000x64xf32, #tpu.memory_space<hbm>>
    tpu.wait_indirect_dma semaphore(%arg7 : memref<!tpu.dma_semaphore, #tpu.memory_space<semaphore_mem>>) src(%dma_wait3A_175 : memref<1000000x64xf32, #tpu.memory_space<hbm>>) dst(%dma_wait3A_167 : memref<128x64xf32, #tpu.memory_space<vmem>>)
    %dma_wait3A_176 = arith.constant 48 : i32
    %dma_wait3A_177 = arith.constant 0 : i32
    %dma_wait3A_178 = arith.constant 0 : i32
    %dma_wait3A_179 = arith.constant 0 : i32
    %dma_wait3A_180 = tpu.memref_slice %arg6[%dma_wait3A_177, %dma_wait3A_178, %dma_wait3A_179] : memref<2x512x64xf32, #tpu.memory_space<vmem>> -> memref<1x512x64xf32, #tpu.memory_space<vmem>>
    %dma_wait3A_181 = tpu.memref_squeeze %dma_wait3A_180 : memref<1x512x64xf32, #tpu.memory_space<vmem>> -> memref<512x64xf32, #tpu.memory_space<vmem>>
    %dma_wait3A_182 = arith.constant 256 : i32
    %dma_wait3A_183 = arith.constant 0 : i32
    %dma_wait3A_184 = tpu.memref_slice %dma_wait3A_181[%dma_wait3A_182, %dma_wait3A_183] : memref<512x64xf32, #tpu.memory_space<vmem>> -> memref<128x64xf32, #tpu.memory_space<vmem>>
    %dma_wait3A_185 = arith.constant 0 : i32
    %dma_wait3A_186 = tpu.memref_slice %arg5[%dma_wait3A_176, %dma_wait3A_185] : memref<50x512xi32, #tpu.memory_space<vmem>> -> memref<1x512xi32, #tpu.memory_space<vmem>>
    %dma_wait3A_187 = tpu.memref_squeeze %dma_wait3A_186 : memref<1x512xi32, #tpu.memory_space<vmem>> -> memref<512xi32, #tpu.memory_space<vmem>>
    %dma_wait3A_188 = arith.constant 256 : i32
    %dma_wait3A_189 = tpu.memref_slice %dma_wait3A_187[%dma_wait3A_188] : memref<512xi32, #tpu.memory_space<vmem>> -> memref<128xi32, #tpu.memory_space<vmem>>
    %dma_wait3A_190 = arith.constant 0 : i32
    %dma_wait3A_191 = arith.constant 0 : i32
    %dma_wait3A_192 = tpu.memref_slice %arg2[%dma_wait3A_190, %dma_wait3A_191] : memref<1000000x64xf32, #tpu.memory_space<hbm>> -> memref<1000000x64xf32, #tpu.memory_space<hbm>>
    tpu.wait_indirect_dma semaphore(%arg7 : memref<!tpu.dma_semaphore, #tpu.memory_space<semaphore_mem>>) src(%dma_wait3A_192 : memref<1000000x64xf32, #tpu.memory_space<hbm>>) dst(%dma_wait3A_184 : memref<128x64xf32, #tpu.memory_space<vmem>>)
    %dma_wait3A_193 = arith.constant 48 : i32
    %dma_wait3A_194 = arith.constant 0 : i32
    %dma_wait3A_195 = arith.constant 0 : i32
    %dma_wait3A_196 = arith.constant 0 : i32
    %dma_wait3A_197 = tpu.memref_slice %arg6[%dma_wait3A_194, %dma_wait3A_195, %dma_wait3A_196] : memref<2x512x64xf32, #tpu.memory_space<vmem>> -> memref<1x512x64xf32, #tpu.memory_space<vmem>>
    %dma_wait3A_198 = tpu.memref_squeeze %dma_wait3A_197 : memref<1x512x64xf32, #tpu.memory_space<vmem>> -> memref<512x64xf32, #tpu.memory_space<vmem>>
    %dma_wait3A_199 = arith.constant 384 : i32
    %dma_wait3A_200 = arith.constant 0 : i32
    %dma_wait3A_201 = tpu.memref_slice %dma_wait3A_198[%dma_wait3A_199, %dma_wait3A_200] : memref<512x64xf32, #tpu.memory_space<vmem>> -> memref<128x64xf32, #tpu.memory_space<vmem>>
    %dma_wait3A_202 = arith.constant 0 : i32
    %dma_wait3A_203 = tpu.memref_slice %arg5[%dma_wait3A_193, %dma_wait3A_202] : memref<50x512xi32, #tpu.memory_space<vmem>> -> memref<1x512xi32, #tpu.memory_space<vmem>>
    %dma_wait3A_204 = tpu.memref_squeeze %dma_wait3A_203 : memref<1x512xi32, #tpu.memory_space<vmem>> -> memref<512xi32, #tpu.memory_space<vmem>>
    %dma_wait3A_205 = arith.constant 384 : i32
    %dma_wait3A_206 = tpu.memref_slice %dma_wait3A_204[%dma_wait3A_205] : memref<512xi32, #tpu.memory_space<vmem>> -> memref<128xi32, #tpu.memory_space<vmem>>
    %dma_wait3A_207 = arith.constant 0 : i32
    %dma_wait3A_208 = arith.constant 0 : i32
    %dma_wait3A_209 = tpu.memref_slice %arg2[%dma_wait3A_207, %dma_wait3A_208] : memref<1000000x64xf32, #tpu.memory_space<hbm>> -> memref<1000000x64xf32, #tpu.memory_space<hbm>>
    tpu.wait_indirect_dma semaphore(%arg7 : memref<!tpu.dma_semaphore, #tpu.memory_space<semaphore_mem>>) src(%dma_wait3A_209 : memref<1000000x64xf32, #tpu.memory_space<hbm>>) dst(%dma_wait3A_201 : memref<128x64xf32, #tpu.memory_space<vmem>>)
    %run_scoped3A = arith.constant 0 : i32
    %run_scoped3A_210 = arith.constant 48 : i32
    "tpu.region"() ({
      %run_scoped3A_281 = tpu.sem_alloc : memref<!tpu.dma_semaphore, #tpu.memory_space<semaphore_mem>>
      %dma_start3A_282 = arith.constant 0 : i32
      %dma_start3A_283 = arith.constant 0 : i32
      %dma_start3A_284 = tpu.memref_slice %arg6[%run_scoped3A, %dma_start3A_282, %dma_start3A_283] : memref<2x512x64xf32, #tpu.memory_space<vmem>> -> memref<1x512x64xf32, #tpu.memory_space<vmem>>
      %dma_start3A_285 = tpu.memref_squeeze %dma_start3A_284 : memref<1x512x64xf32, #tpu.memory_space<vmem>> -> memref<512x64xf32, #tpu.memory_space<vmem>>
      %dma_start3A_286 = arith.constant 0 : i32
      %dma_start3A_287 = tpu.memref_slice %arg4[%mul3A_2, %run_scoped3A_210, %dma_start3A_286] : memref<16384x50x64xf32, #tpu.memory_space<hbm>> -> memref<512x1x64xf32, #tpu.memory_space<hbm>>
      %dma_start3A_288 = tpu.memref_squeeze %dma_start3A_287 : memref<512x1x64xf32, #tpu.memory_space<hbm>> -> memref<512x64xf32, #tpu.memory_space<hbm>>
      %dma_start3A_289 = arith.constant 0 : i32
      %dma_start3A_290 = tpu.memref_slice %arg4[%mul3A_2, %run_scoped3A_210, %dma_start3A_289] : memref<16384x50x64xf32, #tpu.memory_space<hbm>> -> memref<512x1x64xf32, #tpu.memory_space<hbm>>
      %dma_start3A_291 = tpu.memref_squeeze %dma_start3A_290 : memref<512x1x64xf32, #tpu.memory_space<hbm>> -> memref<512x64xf32, #tpu.memory_space<hbm>>
      %dma_start3A_292 = arith.constant 0 : i32
      %dma_start3A_293 = arith.constant 0 : i32
      %dma_start3A_294 = tpu.memref_slice %arg6[%run_scoped3A, %dma_start3A_292, %dma_start3A_293] : memref<2x512x64xf32, #tpu.memory_space<vmem>> -> memref<1x512x64xf32, #tpu.memory_space<vmem>>
      %dma_start3A_295 = tpu.memref_squeeze %dma_start3A_294 : memref<1x512x64xf32, #tpu.memory_space<vmem>> -> memref<512x64xf32, #tpu.memory_space<vmem>>
      tpu.enqueue_dma source(%dma_start3A_295 : memref<512x64xf32, #tpu.memory_space<vmem>>) target(%dma_start3A_291 : memref<512x64xf32, #tpu.memory_space<hbm>>) target_semaphore(%run_scoped3A_281 : memref<!tpu.dma_semaphore, #tpu.memory_space<semaphore_mem>>)
      %dma_wait3A_296 = arith.constant 0 : i32
      %dma_wait3A_297 = arith.constant 0 : i32
      %dma_wait3A_298 = tpu.memref_slice %arg6[%run_scoped3A, %dma_wait3A_296, %dma_wait3A_297] : memref<2x512x64xf32, #tpu.memory_space<vmem>> -> memref<1x512x64xf32, #tpu.memory_space<vmem>>
      %dma_wait3A_299 = tpu.memref_squeeze %dma_wait3A_298 : memref<1x512x64xf32, #tpu.memory_space<vmem>> -> memref<512x64xf32, #tpu.memory_space<vmem>>
      %dma_wait3A_300 = arith.constant 0 : i32
      %dma_wait3A_301 = tpu.memref_slice %arg4[%mul3A_2, %run_scoped3A_210, %dma_wait3A_300] : memref<16384x50x64xf32, #tpu.memory_space<hbm>> -> memref<512x1x64xf32, #tpu.memory_space<hbm>>
      %dma_wait3A_302 = tpu.memref_squeeze %dma_wait3A_301 : memref<512x1x64xf32, #tpu.memory_space<hbm>> -> memref<512x64xf32, #tpu.memory_space<hbm>>
      %dma_wait3A_303 = arith.constant 0 : i32
      %dma_wait3A_304 = tpu.memref_slice %arg4[%mul3A_2, %run_scoped3A_210, %dma_wait3A_303] : memref<16384x50x64xf32, #tpu.memory_space<hbm>> -> memref<512x1x64xf32, #tpu.memory_space<hbm>>
      %dma_wait3A_305 = tpu.memref_squeeze %dma_wait3A_304 : memref<512x1x64xf32, #tpu.memory_space<hbm>> -> memref<512x64xf32, #tpu.memory_space<hbm>>
      %dma_wait3A_306 = arith.constant 0 : i32
      %dma_wait3A_307 = arith.constant 0 : i32
      %dma_wait3A_308 = tpu.memref_slice %arg6[%run_scoped3A, %dma_wait3A_306, %dma_wait3A_307] : memref<2x512x64xf32, #tpu.memory_space<vmem>> -> memref<1x512x64xf32, #tpu.memory_space<vmem>>
      %dma_wait3A_309 = tpu.memref_squeeze %dma_wait3A_308 : memref<1x512x64xf32, #tpu.memory_space<vmem>> -> memref<512x64xf32, #tpu.memory_space<vmem>>
      tpu.wait_dma2 semaphore(%run_scoped3A_281 : memref<!tpu.dma_semaphore, #tpu.memory_space<semaphore_mem>>) src(%dma_wait3A_309 : memref<512x64xf32, #tpu.memory_space<vmem>>) dst(%dma_wait3A_305 : memref<512x64xf32, #tpu.memory_space<hbm>>)
      tpu.yield
    }) : () -> ()
    %dma_wait3A_211 = arith.constant 49 : i32
    %dma_wait3A_212 = arith.constant 1 : i32
    %dma_wait3A_213 = arith.constant 0 : i32
    %dma_wait3A_214 = arith.constant 0 : i32
    %dma_wait3A_215 = tpu.memref_slice %arg6[%dma_wait3A_212, %dma_wait3A_213, %dma_wait3A_214] : memref<2x512x64xf32, #tpu.memory_space<vmem>> -> memref<1x512x64xf32, #tpu.memory_space<vmem>>
    %dma_wait3A_216 = tpu.memref_squeeze %dma_wait3A_215 : memref<1x512x64xf32, #tpu.memory_space<vmem>> -> memref<512x64xf32, #tpu.memory_space<vmem>>
    %dma_wait3A_217 = arith.constant 0 : i32
    %dma_wait3A_218 = arith.constant 0 : i32
    %dma_wait3A_219 = tpu.memref_slice %dma_wait3A_216[%dma_wait3A_217, %dma_wait3A_218] : memref<512x64xf32, #tpu.memory_space<vmem>> -> memref<128x64xf32, #tpu.memory_space<vmem>>
    %dma_wait3A_220 = arith.constant 0 : i32
    %dma_wait3A_221 = tpu.memref_slice %arg5[%dma_wait3A_211, %dma_wait3A_220] : memref<50x512xi32, #tpu.memory_space<vmem>> -> memref<1x512xi32, #tpu.memory_space<vmem>>
    %dma_wait3A_222 = tpu.memref_squeeze %dma_wait3A_221 : memref<1x512xi32, #tpu.memory_space<vmem>> -> memref<512xi32, #tpu.memory_space<vmem>>
    %dma_wait3A_223 = arith.constant 0 : i32
    %dma_wait3A_224 = tpu.memref_slice %dma_wait3A_222[%dma_wait3A_223] : memref<512xi32, #tpu.memory_space<vmem>> -> memref<128xi32, #tpu.memory_space<vmem>>
    %dma_wait3A_225 = arith.constant 0 : i32
    %dma_wait3A_226 = arith.constant 0 : i32
    %dma_wait3A_227 = tpu.memref_slice %arg2[%dma_wait3A_225, %dma_wait3A_226] : memref<1000000x64xf32, #tpu.memory_space<hbm>> -> memref<1000000x64xf32, #tpu.memory_space<hbm>>
    tpu.wait_indirect_dma semaphore(%arg8 : memref<!tpu.dma_semaphore, #tpu.memory_space<semaphore_mem>>) src(%dma_wait3A_227 : memref<1000000x64xf32, #tpu.memory_space<hbm>>) dst(%dma_wait3A_219 : memref<128x64xf32, #tpu.memory_space<vmem>>)
    %dma_wait3A_228 = arith.constant 49 : i32
    %dma_wait3A_229 = arith.constant 1 : i32
    %dma_wait3A_230 = arith.constant 0 : i32
    %dma_wait3A_231 = arith.constant 0 : i32
    %dma_wait3A_232 = tpu.memref_slice %arg6[%dma_wait3A_229, %dma_wait3A_230, %dma_wait3A_231] : memref<2x512x64xf32, #tpu.memory_space<vmem>> -> memref<1x512x64xf32, #tpu.memory_space<vmem>>
    %dma_wait3A_233 = tpu.memref_squeeze %dma_wait3A_232 : memref<1x512x64xf32, #tpu.memory_space<vmem>> -> memref<512x64xf32, #tpu.memory_space<vmem>>
    %dma_wait3A_234 = arith.constant 128 : i32
    %dma_wait3A_235 = arith.constant 0 : i32
    %dma_wait3A_236 = tpu.memref_slice %dma_wait3A_233[%dma_wait3A_234, %dma_wait3A_235] : memref<512x64xf32, #tpu.memory_space<vmem>> -> memref<128x64xf32, #tpu.memory_space<vmem>>
    %dma_wait3A_237 = arith.constant 0 : i32
    %dma_wait3A_238 = tpu.memref_slice %arg5[%dma_wait3A_228, %dma_wait3A_237] : memref<50x512xi32, #tpu.memory_space<vmem>> -> memref<1x512xi32, #tpu.memory_space<vmem>>
    %dma_wait3A_239 = tpu.memref_squeeze %dma_wait3A_238 : memref<1x512xi32, #tpu.memory_space<vmem>> -> memref<512xi32, #tpu.memory_space<vmem>>
    %dma_wait3A_240 = arith.constant 128 : i32
    %dma_wait3A_241 = tpu.memref_slice %dma_wait3A_239[%dma_wait3A_240] : memref<512xi32, #tpu.memory_space<vmem>> -> memref<128xi32, #tpu.memory_space<vmem>>
    %dma_wait3A_242 = arith.constant 0 : i32
    %dma_wait3A_243 = arith.constant 0 : i32
    %dma_wait3A_244 = tpu.memref_slice %arg2[%dma_wait3A_242, %dma_wait3A_243] : memref<1000000x64xf32, #tpu.memory_space<hbm>> -> memref<1000000x64xf32, #tpu.memory_space<hbm>>
    tpu.wait_indirect_dma semaphore(%arg8 : memref<!tpu.dma_semaphore, #tpu.memory_space<semaphore_mem>>) src(%dma_wait3A_244 : memref<1000000x64xf32, #tpu.memory_space<hbm>>) dst(%dma_wait3A_236 : memref<128x64xf32, #tpu.memory_space<vmem>>)
    %dma_wait3A_245 = arith.constant 49 : i32
    %dma_wait3A_246 = arith.constant 1 : i32
    %dma_wait3A_247 = arith.constant 0 : i32
    %dma_wait3A_248 = arith.constant 0 : i32
    %dma_wait3A_249 = tpu.memref_slice %arg6[%dma_wait3A_246, %dma_wait3A_247, %dma_wait3A_248] : memref<2x512x64xf32, #tpu.memory_space<vmem>> -> memref<1x512x64xf32, #tpu.memory_space<vmem>>
    %dma_wait3A_250 = tpu.memref_squeeze %dma_wait3A_249 : memref<1x512x64xf32, #tpu.memory_space<vmem>> -> memref<512x64xf32, #tpu.memory_space<vmem>>
    %dma_wait3A_251 = arith.constant 256 : i32
    %dma_wait3A_252 = arith.constant 0 : i32
    %dma_wait3A_253 = tpu.memref_slice %dma_wait3A_250[%dma_wait3A_251, %dma_wait3A_252] : memref<512x64xf32, #tpu.memory_space<vmem>> -> memref<128x64xf32, #tpu.memory_space<vmem>>
    %dma_wait3A_254 = arith.constant 0 : i32
    %dma_wait3A_255 = tpu.memref_slice %arg5[%dma_wait3A_245, %dma_wait3A_254] : memref<50x512xi32, #tpu.memory_space<vmem>> -> memref<1x512xi32, #tpu.memory_space<vmem>>
    %dma_wait3A_256 = tpu.memref_squeeze %dma_wait3A_255 : memref<1x512xi32, #tpu.memory_space<vmem>> -> memref<512xi32, #tpu.memory_space<vmem>>
    %dma_wait3A_257 = arith.constant 256 : i32
    %dma_wait3A_258 = tpu.memref_slice %dma_wait3A_256[%dma_wait3A_257] : memref<512xi32, #tpu.memory_space<vmem>> -> memref<128xi32, #tpu.memory_space<vmem>>
    %dma_wait3A_259 = arith.constant 0 : i32
    %dma_wait3A_260 = arith.constant 0 : i32
    %dma_wait3A_261 = tpu.memref_slice %arg2[%dma_wait3A_259, %dma_wait3A_260] : memref<1000000x64xf32, #tpu.memory_space<hbm>> -> memref<1000000x64xf32, #tpu.memory_space<hbm>>
    tpu.wait_indirect_dma semaphore(%arg8 : memref<!tpu.dma_semaphore, #tpu.memory_space<semaphore_mem>>) src(%dma_wait3A_261 : memref<1000000x64xf32, #tpu.memory_space<hbm>>) dst(%dma_wait3A_253 : memref<128x64xf32, #tpu.memory_space<vmem>>)
    %dma_wait3A_262 = arith.constant 49 : i32
    %dma_wait3A_263 = arith.constant 1 : i32
    %dma_wait3A_264 = arith.constant 0 : i32
    %dma_wait3A_265 = arith.constant 0 : i32
    %dma_wait3A_266 = tpu.memref_slice %arg6[%dma_wait3A_263, %dma_wait3A_264, %dma_wait3A_265] : memref<2x512x64xf32, #tpu.memory_space<vmem>> -> memref<1x512x64xf32, #tpu.memory_space<vmem>>
    %dma_wait3A_267 = tpu.memref_squeeze %dma_wait3A_266 : memref<1x512x64xf32, #tpu.memory_space<vmem>> -> memref<512x64xf32, #tpu.memory_space<vmem>>
    %dma_wait3A_268 = arith.constant 384 : i32
    %dma_wait3A_269 = arith.constant 0 : i32
    %dma_wait3A_270 = tpu.memref_slice %dma_wait3A_267[%dma_wait3A_268, %dma_wait3A_269] : memref<512x64xf32, #tpu.memory_space<vmem>> -> memref<128x64xf32, #tpu.memory_space<vmem>>
    %dma_wait3A_271 = arith.constant 0 : i32
    %dma_wait3A_272 = tpu.memref_slice %arg5[%dma_wait3A_262, %dma_wait3A_271] : memref<50x512xi32, #tpu.memory_space<vmem>> -> memref<1x512xi32, #tpu.memory_space<vmem>>
    %dma_wait3A_273 = tpu.memref_squeeze %dma_wait3A_272 : memref<1x512xi32, #tpu.memory_space<vmem>> -> memref<512xi32, #tpu.memory_space<vmem>>
    %dma_wait3A_274 = arith.constant 384 : i32
    %dma_wait3A_275 = tpu.memref_slice %dma_wait3A_273[%dma_wait3A_274] : memref<512xi32, #tpu.memory_space<vmem>> -> memref<128xi32, #tpu.memory_space<vmem>>
    %dma_wait3A_276 = arith.constant 0 : i32
    %dma_wait3A_277 = arith.constant 0 : i32
    %dma_wait3A_278 = tpu.memref_slice %arg2[%dma_wait3A_276, %dma_wait3A_277] : memref<1000000x64xf32, #tpu.memory_space<hbm>> -> memref<1000000x64xf32, #tpu.memory_space<hbm>>
    tpu.wait_indirect_dma semaphore(%arg8 : memref<!tpu.dma_semaphore, #tpu.memory_space<semaphore_mem>>) src(%dma_wait3A_278 : memref<1000000x64xf32, #tpu.memory_space<hbm>>) dst(%dma_wait3A_270 : memref<128x64xf32, #tpu.memory_space<vmem>>)
    %run_scoped3A_279 = arith.constant 1 : i32
    %run_scoped3A_280 = arith.constant 49 : i32
    "tpu.region"() ({
      %run_scoped3A_281 = tpu.sem_alloc : memref<!tpu.dma_semaphore, #tpu.memory_space<semaphore_mem>>
      %dma_start3A_282 = arith.constant 0 : i32
      %dma_start3A_283 = arith.constant 0 : i32
      %dma_start3A_284 = tpu.memref_slice %arg6[%run_scoped3A_279, %dma_start3A_282, %dma_start3A_283] : memref<2x512x64xf32, #tpu.memory_space<vmem>> -> memref<1x512x64xf32, #tpu.memory_space<vmem>>
      %dma_start3A_285 = tpu.memref_squeeze %dma_start3A_284 : memref<1x512x64xf32, #tpu.memory_space<vmem>> -> memref<512x64xf32, #tpu.memory_space<vmem>>
      %dma_start3A_286 = arith.constant 0 : i32
      %dma_start3A_287 = tpu.memref_slice %arg4[%mul3A_2, %run_scoped3A_280, %dma_start3A_286] : memref<16384x50x64xf32, #tpu.memory_space<hbm>> -> memref<512x1x64xf32, #tpu.memory_space<hbm>>
      %dma_start3A_288 = tpu.memref_squeeze %dma_start3A_287 : memref<512x1x64xf32, #tpu.memory_space<hbm>> -> memref<512x64xf32, #tpu.memory_space<hbm>>
      %dma_start3A_289 = arith.constant 0 : i32
      %dma_start3A_290 = tpu.memref_slice %arg4[%mul3A_2, %run_scoped3A_280, %dma_start3A_289] : memref<16384x50x64xf32, #tpu.memory_space<hbm>> -> memref<512x1x64xf32, #tpu.memory_space<hbm>>
      %dma_start3A_291 = tpu.memref_squeeze %dma_start3A_290 : memref<512x1x64xf32, #tpu.memory_space<hbm>> -> memref<512x64xf32, #tpu.memory_space<hbm>>
      %dma_start3A_292 = arith.constant 0 : i32
      %dma_start3A_293 = arith.constant 0 : i32
      %dma_start3A_294 = tpu.memref_slice %arg6[%run_scoped3A_279, %dma_start3A_292, %dma_start3A_293] : memref<2x512x64xf32, #tpu.memory_space<vmem>> -> memref<1x512x64xf32, #tpu.memory_space<vmem>>
      %dma_start3A_295 = tpu.memref_squeeze %dma_start3A_294 : memref<1x512x64xf32, #tpu.memory_space<vmem>> -> memref<512x64xf32, #tpu.memory_space<vmem>>
      tpu.enqueue_dma source(%dma_start3A_295 : memref<512x64xf32, #tpu.memory_space<vmem>>) target(%dma_start3A_291 : memref<512x64xf32, #tpu.memory_space<hbm>>) target_semaphore(%run_scoped3A_281 : memref<!tpu.dma_semaphore, #tpu.memory_space<semaphore_mem>>)
      %dma_wait3A_296 = arith.constant 0 : i32
      %dma_wait3A_297 = arith.constant 0 : i32
      %dma_wait3A_298 = tpu.memref_slice %arg6[%run_scoped3A_279, %dma_wait3A_296, %dma_wait3A_297] : memref<2x512x64xf32, #tpu.memory_space<vmem>> -> memref<1x512x64xf32, #tpu.memory_space<vmem>>
      %dma_wait3A_299 = tpu.memref_squeeze %dma_wait3A_298 : memref<1x512x64xf32, #tpu.memory_space<vmem>> -> memref<512x64xf32, #tpu.memory_space<vmem>>
      %dma_wait3A_300 = arith.constant 0 : i32
      %dma_wait3A_301 = tpu.memref_slice %arg4[%mul3A_2, %run_scoped3A_280, %dma_wait3A_300] : memref<16384x50x64xf32, #tpu.memory_space<hbm>> -> memref<512x1x64xf32, #tpu.memory_space<hbm>>
      %dma_wait3A_302 = tpu.memref_squeeze %dma_wait3A_301 : memref<512x1x64xf32, #tpu.memory_space<hbm>> -> memref<512x64xf32, #tpu.memory_space<hbm>>
      %dma_wait3A_303 = arith.constant 0 : i32
      %dma_wait3A_304 = tpu.memref_slice %arg4[%mul3A_2, %run_scoped3A_280, %dma_wait3A_303] : memref<16384x50x64xf32, #tpu.memory_space<hbm>> -> memref<512x1x64xf32, #tpu.memory_space<hbm>>
      %dma_wait3A_305 = tpu.memref_squeeze %dma_wait3A_304 : memref<512x1x64xf32, #tpu.memory_space<hbm>> -> memref<512x64xf32, #tpu.memory_space<hbm>>
      %dma_wait3A_306 = arith.constant 0 : i32
      %dma_wait3A_307 = arith.constant 0 : i32
      %dma_wait3A_308 = tpu.memref_slice %arg6[%run_scoped3A_279, %dma_wait3A_306, %dma_wait3A_307] : memref<2x512x64xf32, #tpu.memory_space<vmem>> -> memref<1x512x64xf32, #tpu.memory_space<vmem>>
      %dma_wait3A_309 = tpu.memref_squeeze %dma_wait3A_308 : memref<1x512x64xf32, #tpu.memory_space<vmem>> -> memref<512x64xf32, #tpu.memory_space<vmem>>
      tpu.wait_dma2 semaphore(%run_scoped3A_281 : memref<!tpu.dma_semaphore, #tpu.memory_space<semaphore_mem>>) src(%dma_wait3A_309 : memref<512x64xf32, #tpu.memory_space<vmem>>) dst(%dma_wait3A_305 : memref<512x64xf32, #tpu.memory_space<hbm>>)
      tpu.yield
    }) : () -> ()
    return
  }
}

</mosaic_0001>

<sc_bundles>
// kernel: kernel.3.cloned.1.call-start
scs
__scs_entry_jumppad:
0x0: {  	(pc) =	sbr.rel $0x88, $3  }
0x1: {  	(tag) =	ssettag $0x0;
	lr =	simm.s32 $0x1  }
0x2: {  	[smem:$0x3F9F] =	sst lr;
	_ =	strace $0xD0000000  }
0x3: {  	_ = 	snop  }
0x4: {  	_ = 	snop  }
0x5: {  	_ = 	snop  }
0x6: {  	_ = 	snop  }
0x7: {  	_ = 	snop  }
__scs_overlays_trampoline_lowered:
0x8: {  	[smem:$0x3FAE] =	sst s0  }
0x9: {  	[smem:$0x3FAF] =	sst s1  }
0xa: {  	[smem:$0x3FB0] =	sst s2  }
0xb: {  	[smem:$0x3FB1] =	sst s3  }
0xc: {  	[smem:$0x3FB2] =	sst s4  }
0xd: {  	[smem:$0x3FB3] =	sst s5  }
0xe: {  	[smem:$0x3FB4] =	sst s6  }
0xf: {  	[smem:$0x3FB5] =	sst s7  }
0x10: {  	[smem:$0x3FB6] =	sst s8  }
0x11: {  	[smem:$0x3FB7] =	sst s9;
	s0 =	simm.s32 @!p0 $0x0  }
0x12: {  	s1 =	sld [smem:$0x3F9D];
	s0 =	simm.s32 @p0 $0x1  }
0x13: {  	[smem:$0x3FB8] =	sst s0;
	s0 =	simm.s32 @!p1 $0x0  }
0x14: {  	s2 =	sld [smem:$0x3F9C];
	s0 =	simm.s32 @p1 $0x1  }
0x15: {  	[smem:$0x3FB9] =	sst s0;
	s0 =	simm.s32 @!p2 $0x0  }
0x16: {  	s3 =	sld [smem:$0x3FDB];
	s0 =	simm.s32 @p2 $0x1  }
0x17: {  	s4 =	simm.s32 $0x1BF5;
	[smem:$0x3FBB] =	sst s0  }
0x18: {  	s0 =	sld [smem:$0x3F9E];
	_ =	swait.ge [sflag:s4], $0x0  }
0x19: {  	s7 =	sld [smem:$0x3F9F]  }
0x1a: {  	s8 =	sadd.s32 $0xFFFFE003, lr  }
0x1b: {  	s9 =	sadd.s32 $0xFFFFFEF7, lr;
	s5 =	simm.s32 $0xFFFFFFFF;
	p2 =	slt.u32 s8, $0xFFFFF086  }
0x1c: {  	p1 =	slt.u32 s9, $0xF7A;
	s5 =	simm.s32 @!p2 $0x0  }
0x1d: {  	s5 =	simm.s32 @p1 $0x1;
	p0 =	seq.s32 s7, s2  }
0x1e: {  	s7 =	smul.u32 @!p0 $0xF7A, s2;
	p2 =	seq.s32 @!p0 s5, $0x0  }
0x1f: {  	s9 =	smul.u32 $0xF7A, s1;
	s8 =	simm.s32 @!p0 $0x1BF5;
	p2 =	por !p2, p0  }
0x20: {  	[sflag:s8] =	ssyncset.s32 @!p0 $0xFFFFF086;
	s6 =	sadd.s32 @!p0 s3, s7;
	s7 =	simm.s32 @!p0 $0x108  }
0x21: {  	s3 =	sadd.s32 s3, s9;
	s6 =	sadd.s32 @!p0 $0x88, s6;
	s7 =	simm.s32 @p2 $0x1082  }
0x22: {  	[simem:s7], [sflag:s8] =	dma.local @!p0 [hbm:s6], $0xF7A  }
0x23: {  	s9 =	sor.u32 $0xD0000000, s2;
	s6 =	simm.s32 $0x108;
	_ =	swait.ge @!p0 [sflag:s8], $0x0  }
0x24: {  	s3 =	sadd.s32 $0x88, s3;
	s6 =	simm.s32 @!p1 $0x1082;
	[sflag:s4] =	ssyncset.s32 $0xFFFFF086  }
0x25: {  	[simem:s6], [sflag:s4] =	dma.local [hbm:s3], $0xF7A  }
0x26: {  	[smem:$0x3F9F] =	sst s1;
	(tag) =	ssettag s2;
	_ =	strace s9  }
0x27: {  	s1 =	sld [smem:$0x3FAF]  }
0x28: {  	s2 =	sld [smem:$0x3FB0]  }
0x29: {  	s4 =	sld [smem:$0x3FB2]  }
0x2a: {  	p0 =	seq.s32 s5, $0x0;
	s5 =	sld [smem:$0x3FB3]  }
0x2b: {  	s6 =	sld [smem:$0x3FB4]  }
0x2c: {  	s7 =	sld [smem:$0x3FB5]  }
0x2d: {  	s3 =	simm.s32 $0x108;
	s8 =	sld [smem:$0x3FB6]  }
0x2e: {  	s3 =	simm.s32 @!p0 $0x1082;
	s9 =	sld [smem:$0x3FB7]  }
0x2f: {  	lr =	sadd.s32 s0, s3;
	s0 =	sld [smem:$0x3FAE]  }
0x30: {  	s3 =	sld [smem:$0x3FB1]  }
0x31: {  	[smem:$0x3FBA] =	sst s10  }
0x32: {  	s10 =	sld [smem:$0x3FB8];
	_ =	sdelay $0x3  }
0x33: {  	p0 =	seq.s32 s10, $0x1;
	s10 =	sld [smem:$0x3FBA];
	_ =	sdelay $0x3  }
0x34: {  	[smem:$0x3FBA] =	sst s10  }
0x35: {  	s10 =	sld [smem:$0x3FB9];
	_ =	sdelay $0x3  }
0x36: {  	p1 =	seq.s32 s10, $0x1;
	s10 =	sld [smem:$0x3FBA];
	_ =	sdelay $0x3  }
0x37: {  	[smem:$0x3FBA] =	sst s10  }
0x38: {  	s10 =	sld [smem:$0x3FBB]  }
0x39: {  	_ = 	snop;
	(pc) =	sbr.ind lr, $3  }
0x3a: {  	_ = 	snop  }
0x3b: {  	_ = 	snop  }
0x3c: {  	p2 =	seq.s32 s10, $0x1;
	s10 =	sld [smem:$0x3FBA]  }
0x3d: {  	_ =	shalt  }
0x3e: {  	_ =	shalt  }
0x3f: {  	_ =	shalt  }
0x40: {  	_ =	shalt  }
0x41: {  	_ =	shalt  }
0x42: {  	_ =	shalt  }
0x43: {  	_ =	shalt  }
0x44: {  	_ =	shalt  }
0x45: {  	_ =	shalt  }
0x46: {  	_ =	shalt  }
0x47: {  	_ =	shalt  }
0x48: {  	_ =	shalt  }
0x49: {  	_ =	shalt  }
0x4a: {  	_ =	shalt  }
0x4b: {  	_ =	shalt  }
0x4c: {  	_ =	shalt  }
0x4d: {  	_ =	shalt  }
0x4e: {  	_ =	shalt  }
0x4f: {  	_ =	shalt  }
0x50: {  	_ =	shalt  }
0x51: {  	_ =	shalt  }
0x52: {  	_ =	shalt  }
0x53: {  	_ =	shalt  }
0x54: {  	_ =	shalt  }
0x55: {  	_ =	shalt  }
0x56: {  	_ =	shalt  }
0x57: {  	_ =	shalt  }
0x58: {  	_ =	shalt  }
0x59: {  	_ =	shalt  }
0x5a: {  	_ =	shalt  }
0x5b: {  	_ =	shalt  }
0x5c: {  	_ =	shalt  }
0x5d: {  	_ =	shalt  }
0x5e: {  	_ =	shalt  }
0x5f: {  	_ =	shalt  }
0x60: {  	_ =	shalt  }
0x61: {  	_ =	shalt  }
0x62: {  	_ =	shalt  }
0x63: {  	_ =	shalt  }
0x64: {  	_ =	shalt  }
0x65: {  	_ =	shalt  }
0x66: {  	_ =	shalt  }
0x67: {  	_ =	shalt  }
0x68: {  	_ =	shalt  }
0x69: {  	_ =	shalt  }
0x6a: {  	_ =	shalt  }
0x6b: {  	_ =	shalt  }
0x6c: {  	_ =	shalt  }
0x6d: {  	_ =	shalt  }
0x6e: {  	_ =	shalt  }
0x6f: {  	_ =	shalt  }
0x70: {  	_ =	shalt  }
0x71: {  	_ =	shalt  }
0x72: {  	_ =	shalt  }
0x73: {  	_ =	shalt  }
0x74: {  	_ =	shalt  }
0x75: {  	_ =	shalt  }
0x76: {  	_ =	shalt  }
0x77: {  	_ =	shalt  }
0x78: {  	_ =	shalt  }
0x79: {  	_ =	shalt  }
0x7a: {  	_ =	shalt  }
0x7b: {  	_ =	shalt  }
0x7c: {  	_ =	shalt  }
0x7d: {  	_ =	shalt  }
0x7e: {  	_ =	shalt  }
0x7f: {  	_ =	shalt  }
0x80: {  	_ =	shalt  }
0x81: {  	_ =	shalt  }
0x82: {  	_ =	shalt  }
0x83: {  	_ =	shalt  }
0x84: {  	_ =	shalt  }
0x85: {  	_ =	shalt  }
0x86: {  	_ =	shalt  }
0x87: {  	_ =	shalt  }
.Lfunc_end0:
.L_simem_size_0:
called_computation.1_lowered:
.L_overlay_start_0:
0x88: {  	s2 =	sld [smem:$0x3FD9]  }
0x89: {  	s3 =	sld [smem:$0x3FFE];
	_ =	sdelay $0x1  }
0x8a: {  	s1 =	srdreg.scid  }
0x8b: {  	s0 =	sand.u32 $0x1, s1  }
0x8c: {  	s17 =	sshll.u32 s0, $0xA;
	s2 =	sadd.s32 s3, s2  }
0x8d: {  	s2 =	sadd.s32 s2, s17  }
0x8e: {  	[smem:$0x3FC6] =	sst s2  }
0x8f: {  	_ = 	snop  }
0x90: {  	s2 =	sld [smem:$0x3FD0];
	(tm) =	ssettm $0x1  }
0x91: {  	s18 =	sld [smem:$0x3FFB];
	_ =	sdelay $0x3  }
0x92: {  	_ =	strace s18  }
0x93: {  	s3 =	sld [smem:$0x3FFC];
	_ =	sdelay $0x3  }
0x94: {  	_ =	strace s3  }
0x95: {  	s3 =	sld [smem:$0x3FFD];
	_ =	sdelay $0x3  }
0x96: {  	_ =	strace s3  }
0x97: {  	_ =	strace $0x8FFFFFFF  }
0x98: {  	s19 =	sld [smem:$0x3FDB];
	_ =	sdelay $0x1  }
0x99: {  	s4 =	simm.s32 $_scs_section_size  }
0x9a: {  	s5 =	simm.s32 $_size__tile_overlayer_lowered;
	s6 =	simm.s32 $_tile_overlayer_lowered  }
0x9b: {  	s22 =	simm.s32 $0x1BFF;
	s21 =	sshll.u32 s6, $0x1;
	s3 =	sadd.s32 s4, s19  }
0x9c: {  	s7 =	simm.s32 $0x0;
	s20 =	sshll.u32 s5, $0x1;
	s5 =	sadd.s32 s21, s3  }
0x9d: {  	[timem:s7], [sflag:s22] =	dma.local [hbm:s5], s20  }
0x9e: {  	_ =	swait.ge [sflag:s22], s20  }
0x9f: {  	s4 =	ssub.s32 $0x0, s20;
	[sflag:s22] =	ssyncset.done $0x0  }
0xa0: {  	[sflag:s22] =	ssyncadd.s32 s4;
	_ =	sdelay $0x1  }
0xa1: {  	s23 =	simm.s32 $0x1B8B  }
0xa2: {  	_ =	swait.ge [sflag:s23], $0x1  }
0xa3: {  	[sflag:s23] =	ssyncset.done $0x0  }
0xa4: {  	s25 =	simm.s32 $0x1B8E;
	s24 =	sld [smem:$0x3FFE];
	[sflag:s23] =	ssyncadd.s32 $0xFFFFFFFF  }
0xa5: {  	s26 =	simm.s32 $execute0_lowered;
	[smem:$0x3FD2] =	sst s25  }
0xa6: {  	s5 =	sshll.u32 s26, $0x1;
	_ =	strace $0x80000046;
	[dreg:$0x1] =	wrdreg $0xFFFFFFFF  }
0xa7: {  	s28 =	simm.s32 $_size_execute0_lowered;
	s3 =	sadd.s32 s3, s5;
	[dreg:$0x0] =	wrdreg $0x0  }
0xa8: {  	s5 =	sshll.u32 s28, $0x1;
	[dreg:$0x2] =	wrdreg s3  }
0xa9: {  	[dreg:$0x3] =	wrdreg s5  }
0xaa: {  	[dreg:$0x4] =	wrdreg $0xC0  }
0xab: {  	_ =	task [dreg:s7], $0x5FFFF  }
0xac: {  	[dreg:$0x1] =	wrdreg $0xFFFFFFFF  }
0xad: {  	[dreg:$0x0] =	wrdreg $0x60  }
0xae: {  	[dreg:$0x2] =	wrdreg s24  }
0xaf: {  	[dreg:$0x3] =	wrdreg s2  }
0xb0: {  	[dreg:$0x4] =	wrdreg $0x9  }
0xb1: {  	_ =	task.clear_ibuf [dreg:s7], $0x5FFFF;
	_ =	strace $0x90000046  }
0xb2: {  	s29 =	simm.s32 $0x9;
	_ =	strace $0x80000048  }
0xb3: {  	_ =	swait.ge [sflag:s29], $0x1  }
0xb4: {  	[sflag:s29] =	ssyncadd.s32 $0xFFFFFFFF  }
0xb5: {  	_ =	strace $0x90000048  }
0xb6: {  	_ =	sfence  }
0xb7: {  	s30 =	sld [smem:$0x0];
	_ =	sdelay $0x2  }
0xb8: {  	s31 =	sshll.u32 s1, $0xD;
	s1 =	sshrl.u32 s1, $0x2  }
0xb9: {  	s3 =	sand.u32 $0x4000, s31;
	s1 =	sadd.s32 s1, s30  }
0xba: {  	s0 =	sor.u32 s3, s0;
	s1 =	sshll.u32 s1, $0x11  }
0xbb: {  	s0 =	sor.u32 s1, s0  }
0xbc: {  	s0 =	sadd.s32 $0x8F2B, s0  }
0xbd: {  	[sflag:s0] =	ssyncadd.remote.s32 $0x1  }
0xbe: {  	_ =	sfence.sel $0xFFFF  }
0xbf: {  	[dreg:$0x0] =	wrdreg $0xFFFFFFFF;
	(pc) =	sbr.abs _section_cstart, $3  }
0xc0: {  	[dreg:$0x1] =	wrdreg $0xFFFFFFFF  }
0xc1: {  	_ =	task.clear_ibuf [dreg:s7], $0x2FFFF;
	_ =	strace $0x9FFFFFFF  }
0xc2: {  	(tm) =	ssettm $0x7FFFFFFF  }
0xc3: {  	_ =	shalt  }
tec
execute0_lowered:
.L_overlay_start_1:
0x0: {  	(tag) =	ssettag $0x1  }
0x1: {  	s0 =	rddreg [dreg:$0x0]  }
0x2: {  	s1 =	rddreg [dreg:$0x1]  }
0x3: {  	s2 =	srdreg.scid;
	s8 =	stileid.u32;
	s12 =	simm.s32 $0x3  }
0x4: {  	s13 =	simm.s32 $0x80;
	s14 =	simm.s32 $0x6400;
	s15 =	simm.s32 $0x8400  }
0x5: {  	s17 =	simm.s32 $0xA400;
	s19 =	simm.s32 $0xC400;
	s20 =	simm.s32 $0xE400  }
0x6: {  	s21 =	simm.s32 $0x10400;
	s22 =	simm.s32 $0x12400;
	s23 =	simm.s32 $0x14400  }
0x7: {  	s24 =	simm.s32 $0x1;
	s25 =	simm.s32 $0x40;
	s26 =	simm.s32 $0xC80  }
0x8: {  	s28 =	simm.s32 $0x2;
	s4 =	sand.u32 $0x1, s2;
	s2 =	simm.s32 $0x0  }
0x9: {  	s3 =	sshll.u32 s8, $0xA;
	s8 =	smul.u32 $0x320000, s8;
	s5 =	sshll.u32 s4, $0x9  }
0xa: {  	[smem:$0x7FF] =	sst s2;
	s7 =	ssub.s32 $0x2, s4;
	s10 =	smul.u32 $0x190000, s4  }
0xb: {  	s5 =	sor.u32 s5, s3;
	_ =	strace $0x80000047;
	s3 =	sadd.s32 $0xF42E00, s0  }
0xc: {  	s9 =	sshrl.u32 s7, $0x1;
	s6 =	smul.u32 $0x190, s5;
	s5 =	sshrl.u32 s5, $0x3  }
0xd: {  	s7 =	ssub.s32 s7, s9;
	s31 =	sadd.s32 s10, s8;
	s0 =	sadd.s32 s5, s0  }
0xe: {  	s8 =	sshrl.u32 s31, $0x3;
	s7 =	smax.u32 s7, $0x1;
	s6 =	sadd.s32 s6, s1  }
0xf: {  	s4 =	sadd.s32 $0xA00, s0;
	s0 =	sor.u32 $0x40, s31;
	s8 =	sadd.s32 s8, s1  }
0x10: {  	s5 =	sadd.s32 $0x180, s6;
	s6 =	sadd.s32 $0x188, s6;
	s0 =	sshrl.u32 s0, $0x3  }
0x11: {  	s9 =	sadd.s32 s0, s1;
	s0 =	simm.s32 $0x6380;
	s1 =	simm.s32 $0x0  }
.LBB2_1:
0x12: {  	s10 =	simm.s32 $0x200;
	s11 =	simm.s32 $0x4000  }
0x13: {  	[tilespmem:s2], [sflag:$0x3] =	stream.strided.gather [hbm4b:s4+s10], $0x6400, s11, s10, $0x38;
	[tilespmem:$0x16400] =	vst v63  }
0x14: {  	_ =	swait.ge [sflag:s12], $0x6400  }
0x15: {  	[sflag:s12] =	ssyncset.done $0x0  }
0x16: {  	[sflag:s12] =	ssyncadd.s32 $0xFFFF9C00  }
0x17: {  	[tilespmem:s14], [sflag:$0x1] =	stream.indirect.gather [hbm4b:s3+s13], $0x40, s2, s13, $0xb8;
	[tilespmem:$0x16400] =	vst v63  }
0x18: {  	_ = 	snop  }
0x19: {  	[tilespmem:s15], [sflag:$0x1] =	stream.indirect.gather [hbm4b:s3+s13], $0x40, s13, s13, $0xb8;
	[tilespmem:$0x16400] =	vst v63  }
0x1a: {  	s18 =	simm.s32 $0x100  }
0x1b: {  	[tilespmem:s17], [sflag:$0x1] =	stream.indirect.gather [hbm4b:s3+s13], $0x40, s18, s13, $0xb8;
	[tilespmem:$0x16400] =	vst v63  }
0x1c: {  	s29 =	simm.s32 $0x180  }
0x1d: {  	[tilespmem:s19], [sflag:$0x1] =	stream.indirect.gather [hbm4b:s3+s13], $0x40, s29, s13, $0xb8;
	[tilespmem:$0x16400] =	vst v63  }
0x1e: {  	s30 =	simm.s32 $0x200  }
0x1f: {  	[tilespmem:s20], [sflag:$0x2] =	stream.indirect.gather [hbm4b:s3+s13], $0x40, s30, s13, $0xb8;
	[tilespmem:$0x16400] =	vst v63  }
0x20: {  	s31 =	simm.s32 $0x280  }
0x21: {  	[tilespmem:s21], [sflag:$0x2] =	stream.indirect.gather [hbm4b:s3+s13], $0x40, s31, s13, $0xb8;
	[tilespmem:$0x16400] =	vst v63  }
0x22: {  	s11 =	simm.s32 $0x300  }
0x23: {  	[tilespmem:s22], [sflag:$0x2] =	stream.indirect.gather [hbm4b:s3+s13], $0x40, s11, s13, $0xb8;
	[tilespmem:$0x16400] =	vst v63  }
0x24: {  	s16 =	simm.s32 $0x380  }
0x25: {  	[tilespmem:s23], [sflag:$0x2] =	stream.indirect.gather [hbm4b:s3+s13], $0x40, s16, s13, $0xb8;
	[tilespmem:$0x16400] =	vst v63  }
0x26: {  	_ =	swait.ge [sflag:s24], $0x2000  }
0x27: {  	[sflag:s24] =	ssyncset.done $0x0  }
0x28: {  	[sflag:s24] =	ssyncadd.s32 $0xFFFFE000  }
0x29: {  	_ =	swait.ge [sflag:s24], $0x2000  }
0x2a: {  	[sflag:s24] =	ssyncset.done $0x0  }
0x2b: {  	[sflag:s24] =	ssyncadd.s32 $0xFFFFE000  }
0x2c: {  	_ =	swait.ge [sflag:s24], $0x2000  }
0x2d: {  	[sflag:s24] =	ssyncset.done $0x0  }
0x2e: {  	[sflag:s24] =	ssyncadd.s32 $0xFFFFE000  }
0x2f: {  	_ =	swait.ge [sflag:s24], $0x2000  }
0x30: {  	[sflag:s24] =	ssyncset.done $0x0  }
0x31: {  	[sflag:s24] =	ssyncadd.s32 $0xFFFFE000  }
0x32: {  	[hbm4b:s8+s25] =	stream.strided.scatter [tilespmem:s14], [sflag:$0x3], $0x8000, s26, s25, $0x38;
	[tilespmem:$0x16400] =	vst v63  }
0x33: {  	_ =	swait.ge [sflag:s12], $0x8000  }
0x34: {  	[sflag:s12] =	ssyncset.done $0x0  }
0x35: {  	s18 =	simm.s32 $0x400;
	[sflag:s12] =	ssyncadd.s32 $0xFFFF8000  }
0x36: {  	[tilespmem:s14], [sflag:$0x1] =	stream.indirect.gather [hbm4b:s3+s13], $0x40, s18, s13, $0xb8;
	[tilespmem:$0x16400] =	vst v63  }
0x37: {  	s29 =	simm.s32 $0x480  }
0x38: {  	[tilespmem:s15], [sflag:$0x1] =	stream.indirect.gather [hbm4b:s3+s13], $0x40, s29, s13, $0xb8;
	[tilespmem:$0x16400] =	vst v63  }
0x39: {  	s30 =	simm.s32 $0x500  }
0x3a: {  	[tilespmem:s17], [sflag:$0x1] =	stream.indirect.gather [hbm4b:s3+s13], $0x40, s30, s13, $0xb8;
	[tilespmem:$0x16400] =	vst v63  }
0x3b: {  	s31 =	simm.s32 $0x580  }
0x3c: {  	[tilespmem:s19], [sflag:$0x1] =	stream.indirect.gather [hbm4b:s3+s13], $0x40, s31, s13, $0xb8;
	[tilespmem:$0x16400] =	vst v63  }
0x3d: {  	_ =	swait.ge [sflag:s28], $0x2000  }
0x3e: {  	[sflag:s28] =	ssyncset.done $0x0  }
0x3f: {  	[sflag:s28] =	ssyncadd.s32 $0xFFFFE000  }
0x40: {  	_ =	swait.ge [sflag:s28], $0x2000  }
0x41: {  	[sflag:s28] =	ssyncset.done $0x0  }
0x42: {  	[sflag:s28] =	ssyncadd.s32 $0xFFFFE000  }
0x43: {  	_ =	swait.ge [sflag:s28], $0x2000  }
0x44: {  	[sflag:s28] =	ssyncset.done $0x0  }
0x45: {  	[sflag:s28] =	ssyncadd.s32 $0xFFFFE000  }
0x46: {  	_ =	swait.ge [sflag:s28], $0x2000  }
0x47: {  	[sflag:s28] =	ssyncset.done $0x0  }
0x48: {  	[sflag:s28] =	ssyncadd.s32 $0xFFFFE000  }
0x49: {  	[hbm4b:s9+s25] =	stream.strided.scatter [tilespmem:s20], [sflag:$0x3], $0x8000, s26, s25, $0x38;
	[tilespmem:$0x16400] =	vst v63  }
0x4a: {  	s10 =	sadd.s32 $0x10, s9;
	s11 =	sadd.s32 $0x10, s8;
	_ =	swait.ge [sflag:s12], $0x8000  }
0x4b: {  	s16 =	simm.s32 $0x400;
	s18 =	simm.s32 $0x2000;
	[sflag:s12] =	ssyncset.done $0x0  }
.LBB2_2:
0x4c: {  	s31 =	sadd.s32 $0x200, s16  }
0x4d: {  	[sflag:s12] =	ssyncadd.s32 $0xFFFF8000;
	s29 =	smov.u32 s18;
	s30 =	sadd.s32 $0x1000, s18  }
0x4e: {  	[tilespmem:s20], [sflag:$0x2] =	stream.indirect.gather [hbm4b:s3+s13], $0x40, s31, s13, $0xb8;
	[tilespmem:$0x16400] =	vst v63  }
0x4f: {  	p0 =	sne.s32 s18, $0x17000;
	s18 =	sadd.s32 $0x280, s16  }
0x50: {  	[tilespmem:s21], [sflag:$0x2] =	stream.indirect.gather [hbm4b:s3+s13], $0x40, s18, s13, $0xb8;
	[tilespmem:$0x16400] =	vst v63  }
0x51: {  	s18 =	sadd.s32 $0x300, s16  }
0x52: {  	[tilespmem:s22], [sflag:$0x2] =	stream.indirect.gather [hbm4b:s3+s13], $0x40, s18, s13, $0xb8;
	[tilespmem:$0x16400] =	vst v63  }
0x53: {  	s18 =	sadd.s32 $0x380, s16  }
0x54: {  	[tilespmem:s23], [sflag:$0x2] =	stream.indirect.gather [hbm4b:s3+s13], $0x40, s18, s13, $0xb8;
	[tilespmem:$0x16400] =	vst v63  }
0x55: {  	_ =	swait.ge [sflag:s24], $0x2000  }
0x56: {  	[sflag:s24] =	ssyncset.done $0x0  }
0x57: {  	[sflag:s24] =	ssyncadd.s32 $0xFFFFE000  }
0x58: {  	_ =	swait.ge [sflag:s24], $0x2000  }
0x59: {  	[sflag:s24] =	ssyncset.done $0x0  }
0x5a: {  	[sflag:s24] =	ssyncadd.s32 $0xFFFFE000  }
0x5b: {  	_ =	swait.ge [sflag:s24], $0x2000  }
0x5c: {  	[sflag:s24] =	ssyncset.done $0x0  }
0x5d: {  	[sflag:s24] =	ssyncadd.s32 $0xFFFFE000  }
0x5e: {  	_ =	swait.ge [sflag:s24], $0x2000  }
0x5f: {  	[sflag:s24] =	ssyncset.done $0x0  }
0x60: {  	[sflag:s24] =	ssyncadd.s32 $0xFFFFE000  }
0x61: {  	[hbm4b:s11+s25] =	stream.strided.scatter [tilespmem:s14], [sflag:$0x3], $0x8000, s26, s25, $0x38;
	[tilespmem:$0x16400] =	vst v63  }
0x62: {  	_ =	swait.ge [sflag:s12], $0x8000  }
0x63: {  	[sflag:s12] =	ssyncset.done $0x0  }
0x64: {  	s18 =	sadd.s32 $0x400, s16;
	[sflag:s12] =	ssyncadd.s32 $0xFFFF8000  }
0x65: {  	[tilespmem:s14], [sflag:$0x1] =	stream.indirect.gather [hbm4b:s3+s13], $0x40, s18, s13, $0xb8;
	[tilespmem:$0x16400] =	vst v63  }
0x66: {  	s18 =	sadd.s32 $0x480, s16  }
0x67: {  	[tilespmem:s15], [sflag:$0x1] =	stream.indirect.gather [hbm4b:s3+s13], $0x40, s18, s13, $0xb8;
	[tilespmem:$0x16400] =	vst v63  }
0x68: {  	s18 =	sadd.s32 $0x500, s16  }
0x69: {  	[tilespmem:s17], [sflag:$0x1] =	stream.indirect.gather [hbm4b:s3+s13], $0x40, s18, s13, $0xb8;
	[tilespmem:$0x16400] =	vst v63  }
0x6a: {  	s16 =	sadd.s32 $0x580, s16  }
0x6b: {  	[tilespmem:s19], [sflag:$0x1] =	stream.indirect.gather [hbm4b:s3+s13], $0x40, s16, s13, $0xb8;
	[tilespmem:$0x16400] =	vst v63  }
0x6c: {  	_ =	swait.ge [sflag:s28], $0x2000  }
0x6d: {  	[sflag:s28] =	ssyncset.done $0x0  }
0x6e: {  	[sflag:s28] =	ssyncadd.s32 $0xFFFFE000  }
0x6f: {  	_ =	swait.ge [sflag:s28], $0x2000  }
0x70: {  	[sflag:s28] =	ssyncset.done $0x0  }
0x71: {  	[sflag:s28] =	ssyncadd.s32 $0xFFFFE000  }
0x72: {  	_ =	swait.ge [sflag:s28], $0x2000  }
0x73: {  	[sflag:s28] =	ssyncset.done $0x0  }
0x74: {  	[sflag:s28] =	ssyncadd.s32 $0xFFFFE000  }
0x75: {  	_ =	swait.ge [sflag:s28], $0x2000  }
.Ltmp0:
0x76: {  	[sflag:s28] =	ssyncset.done $0x0;
	(pc) =	sbr.rel @p0 .LBB2_2-.Ltmp0, $4  }
0x77: {  	[sflag:s28] =	ssyncadd.s32 $0xFFFFE000  }
0x78: {  	[hbm4b:s10+s25] =	stream.strided.scatter [tilespmem:s20], [sflag:$0x3], $0x8000, s26, s25, $0x38;
	[tilespmem:$0x16400] =	vst v63  }
0x79: {  	s11 =	sadd.s32 $0x10, s11;
	s10 =	sadd.s32 $0x10, s10;
	_ =	swait.ge [sflag:s12], $0x8000  }
0x7a: {  	s18 =	smov.u32 s30;
	s16 =	sshra.s32 s29, $0x2;
	[sflag:s12] =	ssyncset.done $0x0  }
0x7b: {  	s18 =	sadd.s32 $0x200, s16;
	[sflag:s12] =	ssyncadd.s32 $0xFFFF8000  }
0x7c: {  	[tilespmem:s20], [sflag:$0x2] =	stream.indirect.gather [hbm4b:s3+s13], $0x40, s18, s13, $0xb8;
	[tilespmem:$0x16400] =	vst v63  }
0x7d: {  	s29 =	sadd.s32 $0x280, s16  }
0x7e: {  	[tilespmem:s21], [sflag:$0x2] =	stream.indirect.gather [hbm4b:s3+s13], $0x40, s29, s13, $0xb8;
	[tilespmem:$0x16400] =	vst v63  }
0x7f: {  	s30 =	sadd.s32 $0x300, s16  }
0x80: {  	[tilespmem:s22], [sflag:$0x2] =	stream.indirect.gather [hbm4b:s3+s13], $0x40, s30, s13, $0xb8;
	[tilespmem:$0x16400] =	vst v63  }
0x81: {  	s31 =	sadd.s32 $0x380, s16  }
0x82: {  	[tilespmem:s23], [sflag:$0x2] =	stream.indirect.gather [hbm4b:s3+s13], $0x40, s31, s13, $0xb8;
	[tilespmem:$0x16400] =	vst v63  }
0x83: {  	_ =	swait.ge [sflag:s24], $0x2000  }
0x84: {  	[sflag:s24] =	ssyncset.done $0x0  }
0x85: {  	[sflag:s24] =	ssyncadd.s32 $0xFFFFE000  }
0x86: {  	_ =	swait.ge [sflag:s24], $0x2000  }
0x87: {  	[sflag:s24] =	ssyncset.done $0x0  }
0x88: {  	[sflag:s24] =	ssyncadd.s32 $0xFFFFE000  }
0x89: {  	_ =	swait.ge [sflag:s24], $0x2000  }
0x8a: {  	[sflag:s24] =	ssyncset.done $0x0  }
0x8b: {  	[sflag:s24] =	ssyncadd.s32 $0xFFFFE000  }
0x8c: {  	_ =	swait.ge [sflag:s24], $0x2000  }
0x8d: {  	[sflag:s24] =	ssyncset.done $0x0  }
0x8e: {  	[sflag:s24] =	ssyncadd.s32 $0xFFFFE000  }
0x8f: {  	[hbm4b:s11+s25] =	stream.strided.scatter [tilespmem:s14], [sflag:$0x3], $0x8000, s26, s25, $0x38;
	[tilespmem:$0x16400] =	vst v63  }
0x90: {  	_ =	swait.ge [sflag:s12], $0x8000  }
0x91: {  	[sflag:s12] =	ssyncset.done $0x0  }
0x92: {  	s29 =	sadd.s32 $0x400, s16;
	[sflag:s12] =	ssyncadd.s32 $0xFFFF8000  }
0x93: {  	[tilespmem:s14], [sflag:$0x1] =	stream.indirect.gather [hbm4b:s3+s13], $0x40, s29, s13, $0xb8;
	[tilespmem:$0x16400] =	vst v63  }
0x94: {  	s30 =	sadd.s32 $0x480, s16  }
0x95: {  	[tilespmem:s15], [sflag:$0x1] =	stream.indirect.gather [hbm4b:s3+s13], $0x40, s30, s13, $0xb8;
	[tilespmem:$0x16400] =	vst v63  }
0x96: {  	s31 =	sadd.s32 $0x500, s16  }
0x97: {  	[tilespmem:s17], [sflag:$0x1] =	stream.indirect.gather [hbm4b:s3+s13], $0x40, s31, s13, $0xb8;
	[tilespmem:$0x16400] =	vst v63  }
0x98: {  	s18 =	sadd.s32 $0x580, s16  }
0x99: {  	[tilespmem:s19], [sflag:$0x1] =	stream.indirect.gather [hbm4b:s3+s13], $0x40, s18, s13, $0xb8;
	[tilespmem:$0x16400] =	vst v63  }
0x9a: {  	_ =	swait.ge [sflag:s28], $0x2000  }
0x9b: {  	[sflag:s28] =	ssyncset.done $0x0  }
0x9c: {  	[sflag:s28] =	ssyncadd.s32 $0xFFFFE000  }
0x9d: {  	_ =	swait.ge [sflag:s28], $0x2000  }
0x9e: {  	[sflag:s28] =	ssyncset.done $0x0  }
0x9f: {  	[sflag:s28] =	ssyncadd.s32 $0xFFFFE000  }
0xa0: {  	_ =	swait.ge [sflag:s28], $0x2000  }
0xa1: {  	[sflag:s28] =	ssyncset.done $0x0  }
0xa2: {  	[sflag:s28] =	ssyncadd.s32 $0xFFFFE000  }
0xa3: {  	_ =	swait.ge [sflag:s28], $0x2000  }
0xa4: {  	[sflag:s28] =	ssyncset.done $0x0  }
0xa5: {  	[sflag:s28] =	ssyncadd.s32 $0xFFFFE000  }
0xa6: {  	[hbm4b:s10+s25] =	stream.strided.scatter [tilespmem:s20], [sflag:$0x3], $0x8000, s26, s25, $0x38;
	[tilespmem:$0x16400] =	vst v63  }
0xa7: {  	_ =	swait.ge [sflag:s12], $0x8000  }
0xa8: {  	[sflag:s12] =	ssyncset.done $0x0  }
0xa9: {  	s29 =	simm.s32 $0x6200;
	[sflag:s12] =	ssyncadd.s32 $0xFFFF8000  }
0xaa: {  	[tilespmem:s20], [sflag:$0x2] =	stream.indirect.gather [hbm4b:s3+s13], $0x40, s29, s13, $0xb8;
	[tilespmem:$0x16400] =	vst v63  }
0xab: {  	s30 =	simm.s32 $0x6280  }
0xac: {  	[tilespmem:s21], [sflag:$0x2] =	stream.indirect.gather [hbm4b:s3+s13], $0x40, s30, s13, $0xb8;
	[tilespmem:$0x16400] =	vst v63  }
0xad: {  	s31 =	simm.s32 $0x6300  }
0xae: {  	[tilespmem:s22], [sflag:$0x2] =	stream.indirect.gather [hbm4b:s3+s13], $0x40, s31, s13, $0xb8;
	[tilespmem:$0x16400] =	vst v63  }
0xaf: {  	_ = 	snop  }
0xb0: {  	[tilespmem:s23], [sflag:$0x2] =	stream.indirect.gather [hbm4b:s3+s13], $0x40, s0, s13, $0xb8;
	[tilespmem:$0x16400] =	vst v63  }
0xb1: {  	_ =	swait.ge [sflag:s24], $0x2000  }
0xb2: {  	[sflag:s24] =	ssyncset.done $0x0  }
0xb3: {  	[sflag:s24] =	ssyncadd.s32 $0xFFFFE000  }
0xb4: {  	_ =	swait.ge [sflag:s24], $0x2000  }
0xb5: {  	[sflag:s24] =	ssyncset.done $0x0  }
0xb6: {  	[sflag:s24] =	ssyncadd.s32 $0xFFFFE000  }
0xb7: {  	_ =	swait.ge [sflag:s24], $0x2000  }
0xb8: {  	[sflag:s24] =	ssyncset.done $0x0  }
0xb9: {  	[sflag:s24] =	ssyncadd.s32 $0xFFFFE000  }
0xba: {  	_ =	swait.ge [sflag:s24], $0x2000  }
0xbb: {  	[sflag:s24] =	ssyncset.done $0x0  }
0xbc: {  	[sflag:s24] =	ssyncadd.s32 $0xFFFFE000  }
0xbd: {  	[hbm4b:s5+s25] =	stream.strided.scatter [tilespmem:s14], [sflag:$0x3], $0x8000, s26, s25, $0x38;
	[tilespmem:$0x16400] =	vst v63  }
0xbe: {  	_ =	swait.ge [sflag:s12], $0x8000  }
0xbf: {  	[sflag:s12] =	ssyncset.done $0x0  }
0xc0: {  	[sflag:s12] =	ssyncadd.s32 $0xFFFF8000  }
0xc1: {  	_ =	swait.ge [sflag:s28], $0x2000  }
0xc2: {  	[sflag:s28] =	ssyncset.done $0x0  }
0xc3: {  	[sflag:s28] =	ssyncadd.s32 $0xFFFFE000  }
0xc4: {  	_ =	swait.ge [sflag:s28], $0x2000  }
0xc5: {  	[sflag:s28] =	ssyncset.done $0x0  }
0xc6: {  	[sflag:s28] =	ssyncadd.s32 $0xFFFFE000  }
0xc7: {  	_ =	swait.ge [sflag:s28], $0x2000  }
0xc8: {  	[sflag:s28] =	ssyncset.done $0x0  }
0xc9: {  	[sflag:s28] =	ssyncadd.s32 $0xFFFFE000  }
0xca: {  	s1 =	sadd.s32 $0x1, s1;
	_ =	swait.ge [sflag:s28], $0x2000  }
0xcb: {  	p0 =	sne.s32 s1, s7;
	[sflag:s28] =	ssyncset.done $0x0  }
.Ltmp1:
0xcc: {  	[sflag:s28] =	ssyncadd.s32 $0xFFFFE000;
	(pc) =	sbr.rel @p0 .LBB2_1-.Ltmp1, $4  }
0xcd: {  	[hbm4b:s6+s25] =	stream.strided.scatter [tilespmem:s20], [sflag:$0x3], $0x8000, s26, s25, $0x38;
	[tilespmem:$0x16400] =	vst v63  }
0xce: {  	_ =	swait.ge [sflag:s12], $0x8000  }
0xcf: {  	[sflag:s12] =	ssyncset.done $0x0  }
0xd0: {  	[sflag:s12] =	ssyncadd.s32 $0xFFFF8000  }
0xd1: {  	_ =	sfence.sel $0x180000  }
0xd2: {  	[bflag:$0x0] =	sbarrier.arrive $0xFFFF  }
0xd3: {  	_ =	strace $0x90000047  }
0xd4: {  	s0 =	stileid.u32;
	[bflag:$0x2] =	sbarrier.arrive $0xFFFF  }
0xd5: {  	p0 =	sne.s32 s0, $0x0;
	s0 =	rddreg [dreg:$0x2]  }
0xd6: {  	s0 =	sadd.s32 @!p0 $0x100000, s0  }
0xd7: {  	[sflag:s0] =	ssyncadd.tile.s32 @!p0 $0x1;
	_ =	shalt  }
.Lfunc_end2:
_tile_overlayer_lowered:
.L_overlay_start_2:
0xd8: {  	(tag) =	ssettag $0x2  }
0xd9: {  	s0 =	rddreg [dreg:$0x0];
	s2 =	stileid.u32  }
0xda: {  	s1 =	rddreg [dreg:$0x1];
	p0 =	sne.s32 s2, $0x0  }
0xdb: {  	s3 =	rddreg [dreg:$0x2];
	[bflag:$0x3] =	sbarrier.arrive $0xFFFF;
	s2 =	simm.s32 @!p0 $0x1C03  }
0xdc: {  	[timem:s3], [sflag:s2] =	dma.local @!p0 [hbm:s0], s1  }
0xdd: {  	s0 =	simm.s32 @!p0 $0x3  }
0xde: {  	_ =	swait.ge @!p0 [sflag:s0], s1  }
0xdf: {  	s1 =	ssub.s32 @!p0 $0x0, s1;
	[sflag:s0] =	ssyncset.done @!p0 $0x0  }
0xe0: {  	[sflag:s0] =	ssyncadd.s32 @!p0 s1  }
0xe1: {  	[bflag:$0x3] =	sbarrier.arrive $0xFFFF  }
0xe2: {  	_ =	shalt  }

// kernel: sparse-core-data-format-call.cloned.1.call-start
scs
called_computation_lowered:
.L_overlay_start_0:
0x0: {  	s2 =	sld [smem:$0x3FD9]  }
0x1: {  	s3 =	sld [smem:$0x3FFE];
	_ =	sdelay $0x1  }
0x2: {  	s1 =	srdreg.scid  }
0x3: {  	s0 =	sand.u32 $0x1, s1  }
0x4: {  	s18 =	sshll.u32 s0, $0xA;
	s2 =	sadd.s32 s3, s2  }
0x5: {  	s2 =	sadd.s32 s2, s18  }
0x6: {  	[smem:$0x3FC6] =	sst s2  }
0x7: {  	_ = 	snop  }
0x8: {  	s2 =	sld [smem:$0x3FD0];
	(tm) =	ssettm $0x1  }
0x9: {  	s19 =	sld [smem:$0x3FFB];
	_ =	sdelay $0x3  }
0xa: {  	_ =	strace s19  }
0xb: {  	s3 =	sld [smem:$0x3FFC];
	_ =	sdelay $0x3  }
0xc: {  	_ =	strace s3  }
0xd: {  	s3 =	sld [smem:$0x3FFD];
	_ =	sdelay $0x3  }
0xe: {  	_ =	strace s3  }
0xf: {  	_ =	strace $0x8FFFFFFF  }
0x10: {  	s20 =	sld [smem:$0x3FDB];
	_ =	sdelay $0x1  }
0x11: {  	s4 =	simm.s32 $_scs_section_size  }
0x12: {  	s5 =	simm.s32 $_size__tile_overlayer_lowered;
	s6 =	simm.s32 $_tile_overlayer_lowered  }
0x13: {  	s23 =	simm.s32 $0x1BFF;
	s22 =	sshll.u32 s6, $0x1;
	s3 =	sadd.s32 s4, s20  }
0x14: {  	s7 =	simm.s32 $0x0;
	s21 =	sshll.u32 s5, $0x1;
	s5 =	sadd.s32 s22, s3  }
0x15: {  	[timem:s7], [sflag:s23] =	dma.local [hbm:s5], s21  }
0x16: {  	_ =	swait.ge [sflag:s23], s21  }
0x17: {  	s4 =	ssub.s32 $0x0, s21;
	[sflag:s23] =	ssyncset.done $0x0  }
0x18: {  	[sflag:s23] =	ssyncadd.s32 s4;
	_ =	sdelay $0x1  }
0x19: {  	s24 =	simm.s32 $0x1B8B  }
0x1a: {  	_ =	swait.ge [sflag:s24], $0x1  }
0x1b: {  	[sflag:s24] =	ssyncset.done $0x0  }
0x1c: {  	s26 =	simm.s32 $0x1B8E;
	s25 =	sld [smem:$0x3FFE];
	[sflag:s24] =	ssyncadd.s32 $0xFFFFFFFF  }
0x1d: {  	s27 =	simm.s32 $execute0_lowered;
	[smem:$0x3FD2] =	sst s26  }
0x1e: {  	s5 =	sshll.u32 s27, $0x1;
	_ =	strace $0x80000049;
	[dreg:$0x1] =	wrdreg $0xFFFFFFFF  }
0x1f: {  	s28 =	simm.s32 $_size_execute0_lowered;
	s3 =	sadd.s32 s3, s5;
	[dreg:$0x0] =	wrdreg $0x0  }
0x20: {  	s5 =	sshll.u32 s28, $0x1;
	[dreg:$0x2] =	wrdreg s3  }
0x21: {  	[dreg:$0x3] =	wrdreg s5  }
0x22: {  	[dreg:$0x4] =	wrdreg $0xC0  }
0x23: {  	_ =	task [dreg:s7], $0x5FFFF  }
0x24: {  	[dreg:$0x1] =	wrdreg $0xFFFFFFFF  }
0x25: {  	[dreg:$0x0] =	wrdreg $0x60  }
0x26: {  	[dreg:$0x2] =	wrdreg s25  }
0x27: {  	[dreg:$0x3] =	wrdreg s2  }
0x28: {  	[dreg:$0x4] =	wrdreg $0x9  }
0x29: {  	_ =	task.clear_ibuf [dreg:s7], $0x5FFFF;
	_ =	strace $0x90000049  }
0x2a: {  	s29 =	simm.s32 $0x9;
	_ =	strace $0x8000004B  }
0x2b: {  	_ =	swait.ge [sflag:s29], $0x1  }
0x2c: {  	[sflag:s29] =	ssyncadd.s32 $0xFFFFFFFF  }
0x2d: {  	_ =	strace $0x9000004B  }
0x2e: {  	_ =	sfence  }
0x2f: {  	s30 =	sld [smem:$0x0];
	_ =	sdelay $0x2  }
0x30: {  	s31 =	sshll.u32 s1, $0xD;
	s1 =	sshrl.u32 s1, $0x2  }
0x31: {  	s3 =	sand.u32 $0x4000, s31;
	s1 =	sadd.s32 s1, s30  }
0x32: {  	s0 =	sor.u32 s3, s0;
	s1 =	sshll.u32 s1, $0x11  }
0x33: {  	s0 =	sor.u32 s1, s0  }
0x34: {  	s0 =	sadd.s32 $0x8F2B, s0  }
0x35: {  	[sflag:s0] =	ssyncadd.remote.s32 $0x1  }
0x36: {  	_ =	sfence.sel $0xFFFF  }
0x37: {  	[dreg:$0x0] =	wrdreg $0xFFFFFFFF;
	(pc) =	sbr.abs _section_cstart, $3  }
0x38: {  	[dreg:$0x1] =	wrdreg $0xFFFFFFFF  }
0x39: {  	_ =	task.clear_ibuf [dreg:s7], $0x2FFFF;
	_ =	strace $0x9FFFFFFF  }
0x3a: {  	(tm) =	ssettm $0x7FFFFFFF  }
0x3b: {  	_ =	shalt  }
tec
execute0_lowered:
.L_overlay_start_1:
0x0: {  	(tag) =	ssettag $0x1  }
0x1: {  	s0 =	srdreg.scid  }
0x2: {  	s1 =	sshll.u32 s0, $0x4  }
0x3: {  	s0 =	stileid.u32;
	s1 =	sand.u32 $0x10, s1  }
0x4: {  	s1 =	sor.u32 s0, s1  }
0x5: {  	s6 =	rddreg [dreg:$0x0];
	s4 =	simm.s32 $0x1;
	s2 =	sshll.u32 s1, $0x7  }
0x6: {  	s7 =	simm.s32 $0x2;
	s12 =	simm.s32 $0x0;
	s1 =	ssub.s32 $0x4000, s2  }
0x7: {  	s8 =	simm.s32 $0x20000;
	s13 =	simm.s32 $0x0;
	s3 =	sand.u32 $0xF80, s1  }
0x8: {  	s9 =	simm.s32 $0x0;
	s5 =	sshrl.u32 s1, $0xC;
	p0 =	sne.s32 s3, $0x0  }
.Ltmp0:
0x9: {  	s1 =	rddreg [dreg:$0x2];
	s4 =	simm.s32 @!p0 $0x0;
	(pc) =	sbr.rel .LBB1_1-.Ltmp0, $4  }
0xa: {  	s11 =	simm.s32 $0x0;
	s3 =	rddreg [dreg:$0x1];
	s5 =	sadd.s32 s4, s5  }
0xb: {  	_ =	strace $0x8000004A;
	s4 =	simm.s32 $0x1;
	s5 =	smul.u32 $0x32, s5  }
0xc: {  	s6 =	sadd.s32 $0xA00, s6;
	s10 =	smov.u32 s2;
	[sflag:s4] =	ssyncpa.u1 $0x0  }
0xd: {  	p0 =	por $0x0, $0x0;
	[sflag:s7] =	ssyncpa.u1 $0x0;
	s7 =	sor.u32 $0x1, s5  }
.LBB1_4:
0xe: {  	s16 =	sshll.u32 s13, $0x3;
	s17 =	sand.u32 $0x78, s13  }
0xf: {  	s30 =	sand.u32 $0x1F800, s13;
	s12 =	sshll.u32 s12, $0x11;
	s16 =	sand.u32 $0x3C00, s16  }
0x10: {  	[tilespmem:s15+$0x810 ss:$0x81] =	vst.msk $0xffff, v2;
	s31 =	sand.u32 $0x7, s13;
	s16 =	sor.u32 s17, s16;
	s17 =	sadd.s32 s3, s30  }
0x11: {  	[tilespmem:s15+$0x1020 ss:$0x81] =	vst.msk $0xffff, v0;
	s13 =	sshll.u32 s31, $0x12;
	s12 =	sadd.s32 s12, s17;
	s16 =	sshrl.u32 s16, $0x3  }
0x12: {  	[tilespmem:s15+$0x0 ss:$0x81] =	vst.msk $0xffff, v1;
	s13 =	sor.u32 $0x400, s13;
	s12 =	sadd.s32 s16, s12  }
0x13: {  	[hbm4b:s12+s13] =	stream.strided.scatter [tilespmem:s14], [sflag:$0x2], $0x2000, s8, s13, $0x20;
	[tilespmem:$0x8080] =	vst v63  }
.LBB1_5:
0x14: {  	s14 =	sadd.s32 $0x1, s9  }
0x15: {  	s12 =	sadd.s32 $0x1000, s10;
	s16 =	smov.u32 s10;
	p2 =	sgt.s32 s14, $0x31  }
0x16: {  	s16 =	smov.u32 @p2 s12  }
0x17: {  	s14 =	simm.s32 @p2 $0x0;
	p2 =	sgt.s32 s16, $0x3FFF  }
0x18: {  	s16 =	smov.u32 @p2 s2;
	p2 =	sne.s32 s11, s7  }
.Ltmp1:
0x19: {  	p1 =	slt.u32 s11, $0x2;
	(pc) =	sbr.rel @!p2 .LBB1_6-.Ltmp1, $4  }
0x1a: {  	s15 =	simm.s32 @!p1 $0x2  }
0x1b: {  	s13 =	smov.u32 s10;
	p0 =	por !p0, !p0;
	_ =	swait.ge @!p1 [sflag:s15], $0x2000  }
0x1c: {  	s12 =	smov.u32 s9;
	[sflag:s15] =	ssyncset.done @!p1 $0x0;
	s9 =	smov.u32 s14  }
0x1d: {  	s11 =	sadd.s32 $0x1, s11;
	[sflag:s15] =	ssyncadd.s32 @!p1 $0xFFFFE000;
	s10 =	smov.u32 s16  }
.LBB1_1:
0x1e: {  	p1 =	sge.u32 s11, s5  }
0x1f: {  	s14 =	sand.u32 @!p1 $0x1FFFFFF, s9  }
0x20: {  	s15 =	smulhi.u32 @!p1 $0x4924925, s14;
	_ =	sdelay $0x1  }
0x21: {  	s15 =	smul.u32 @!p1 $0x38, s15  }
0x22: {  	s16 =	sxor.u32 @!p1 $0xFFFFFFFF, s11;
	s17 =	smul.u32 @!p1 $0x380, s10  }
0x23: {  	s31 =	sadd.s32 $0xFFFFFFFF, s11;
	s16 =	sshll.u32 @!p1 s16, $0xD;
	s14 =	ssub.s32 @!p1 s14, s15  }
0x24: {  	s15 =	sand.u32 @!p1 $0x2000, s16;
	s16 =	sadd.s32 @!p1 s6, s17;
	s14 =	sshll.u32 @!p1 s14, $0x4  }
0x25: {  	s17 =	simm.s32 @!p1 $0x1C00;
	s14 =	sadd.s32 @!p1 s14, s16;
	s16 =	simm.s32 @!p1 $0x40  }
0x26: {  	[tilespmem:s15], [sflag:$0x1] =	stream.strided.gather @!p1 [hbm4b:s14+s16], $0x2000, s17, s16, $0x38;
	[tilespmem:$0x8080] =	vst v63  }
0x27: {  	p1 =	sge.u32 s31, s5  }
.Ltmp2:
0x28: {  	_ = 	snop;
	(pc) =	sbr.rel @p1 .LBB1_5-.Ltmp2, $1  }
0x29: {  	_ =	sdelay $0x3  }
0x2a: {  	s14 =	simm.s32 $0x1  }
0x2b: {  	_ =	swait.ge [sflag:s4], $0x2000;
	s14 =	simm.s32 @!p0 $0x0  }
0x2c: {  	[sflag:s4] =	ssyncset.done $0x0;
	s15 =	sshll.u32 s14, $0xD  }
0x2d: {  	[sflag:s4] =	ssyncadd.s32 $0xFFFFE000;
	s18 =	sor.u32 $0x20, s15  }
0x2e: {  	s14 =	smul.u32 $0x8100, s14;
	v3 =	vld [tilespmem:s18+$0x10]  }
0x2f: {  	s30 =	sand.u32 $0x1, s11;
	v2 =	vld [tilespmem:s18+$0xFFFFFFF0]  }
0x30: {  	s15 =	smul.u32 $0x8100, s30;
	s14 =	sshrl.u32 s14, $0x2;
	v0 =	vld [tilespmem:s18+$0x0]  }
0x31: {  	v1 =	vld [tilespmem:s18+$0xFFFFFFE0];
	s16 =	sor.u32 $0x4000, s14  }
0x32: {  	s31 =	sshrl.u32 s15, $0x2;
	s15 =	sadd.s32 $0x0, s16  }
0x33: {  	s17 =	simm.s32 $0x4;
	s18 =	sadd.s32 $0x40, s18;
	s14 =	sor.u32 $0x4000, s31;
	[tilespmem:s15+$0x1830 ss:$0x81] =	vst.msk $0xffff, v3  }
.LBB1_3:
0x34: {  	v3 =	vld [tilespmem:s18+$0x10];
	p1 =	sne.s32 s17, $0x1FC;
	[tilespmem:s15+$0x810 ss:$0x81] =	vst.msk $0xffff, v2;
	s19 =	smov.u32 s17;
	s17 =	sadd.s32 $0x4, s17  }
.Ltmp3:
0x35: {  	v2 =	vld [tilespmem:s18+$0xFFFFFFF0];
	[tilespmem:s15+$0x1020 ss:$0x81] =	vst.msk $0xffff, v0;
	(pc) =	sbr.rel @p1 .LBB1_3-.Ltmp3, $4  }
0x36: {  	v0 =	vld [tilespmem:s18+$0x0];
	[tilespmem:s15+$0x0 ss:$0x81] =	vst.msk $0xffff, v1  }
0x37: {  	s15 =	sshra.s32 s19, $0x2;
	v1 =	vld [tilespmem:s18+$0xFFFFFFE0]  }
0x38: {  	s15 =	sadd.s32 s15, s16  }
0x39: {  	s18 =	sadd.s32 $0x40, s18;
	[tilespmem:s15+$0x1830 ss:$0x81] =	vst.msk $0xffff, v3  }
.Ltmp4:
0x3a: {  	_ = 	snop;
	(pc) =	sbr.rel .LBB1_4-.Ltmp4, $1  }
0x3b: {  	_ =	sdelay $0x3  }
.LBB1_6:
0x3c: {  	_ =	sfence.sel $0x180000  }
0x3d: {  	s2 =	simm.s32 $0x1;
	[bflag:$0x0] =	sbarrier.arrive $0xFFFF  }
0x3e: {  	s31 =	simm.s32 $0x2;
	[sflag:s2] =	ssyncpa.u1 $0x1  }
0x3f: {  	[sflag:s31] =	ssyncpa.u1 $0x1  }
0x40: {  	p0 =	sne.s32 s0, $0x0;
	_ =	strace $0x9000004A  }
0x41: {  	s0 =	sadd.s32 @!p0 $0x100000, s1;
	[bflag:$0x2] =	sbarrier.arrive $0xFFFF  }
0x42: {  	[sflag:s0] =	ssyncadd.tile.s32 @!p0 $0x1;
	_ =	shalt  }
.Lfunc_end1:
_tile_overlayer_lowered:
.L_overlay_start_2:
0x43: {  	(tag) =	ssettag $0x2  }
0x44: {  	s0 =	rddreg [dreg:$0x0];
	s2 =	stileid.u32  }
0x45: {  	s1 =	rddreg [dreg:$0x1];
	p0 =	sne.s32 s2, $0x0  }
0x46: {  	s3 =	rddreg [dreg:$0x2];
	[bflag:$0x3] =	sbarrier.arrive $0xFFFF;
	s2 =	simm.s32 @!p0 $0x1C01  }
0x47: {  	[timem:s3], [sflag:s2] =	dma.local @!p0 [hbm:s0], s1  }
0x48: {  	s0 =	simm.s32 @!p0 $0x1  }
0x49: {  	_ =	swait.ge @!p0 [sflag:s0], s1  }
0x4a: {  	s1 =	ssub.s32 @!p0 $0x0, s1;
	[sflag:s0] =	ssyncset.done @!p0 $0x0  }
0x4b: {  	[sflag:s0] =	ssyncadd.s32 @!p0 s1  }
0x4c: {  	[bflag:$0x3] =	sbarrier.arrive $0xFFFF  }
0x4d: {  	_ =	shalt  }

</sc_bundles>
